<compile_context>
chip_gen: v7x
topology: tpu7x:2x2x1
jax: 0.10.2.dev20260603
libtpu: 0.0.44.dev20260713+nightly
codegen_flags: <defaults>
</compile_context>

<pallas_src>
import functools

import jax
import jax.numpy as jnp
from jax import lax
from jax.experimental import pallas as pl
from jax.experimental.pallas import tpu as pltpu
from jax.experimental.pallas import tpu_sc as plsc

N = 10000
E = 160000
F_IN = 256
H = 256
OUT = 128
G = 64

NPAD = 10240
EPAD = 163840
DUMMY = N
NC, NS = 2, 16
HALF = 128
RB = 512
NBR = NPAD // RB
ECH = 128
ROWS_T = NPAD // NS
A_CH = EPAD // (NC * NS) // ECH
B_CH = EPAD // NS // ECH

_mesh = plsc.VectorSubcoreMesh(
    core_axis_name="c", subcore_axis_name="s", num_cores=NC, num_subcores=NS)


@functools.partial(
    pl.kernel,
    out_type=jax.ShapeDtypeStruct((NC * NPAD, HALF), jnp.float32),
    mesh=_mesh,
    scratch_types=[
        pltpu.VMEM_SHARED((NPAD, HALF), jnp.float32),
        pltpu.VMEM((4, ECH), jnp.int32),
        pltpu.VMEM((ECH, HALF), jnp.float32),
    ],
)
def _deg_kernel(dst_hbm, zeros_hbm, ones_hbm, out_hbm, acc, di, ones_v):
    c = lax.axis_index("c")
    s = lax.axis_index("s")
    w = c * NS + s
    pltpu.sync_copy(zeros_hbm, acc.at[pl.ds(s * ROWS_T, ROWS_T)])
    pltpu.sync_copy(ones_hbm, ones_v)
    plsc.subcore_barrier()
    drow = w * A_CH

    @pl.loop(0, A_CH, step=4)
    def _(g):
        pltpu.sync_copy(dst_hbm.at[pl.ds(drow + g, 4)], di)
        pltpu.sync_copy(ones_v, acc.at[di.at[0]], add=True)
        pltpu.sync_copy(ones_v, acc.at[di.at[1]], add=True)
        pltpu.sync_copy(ones_v, acc.at[di.at[2]], add=True)
        pltpu.sync_copy(ones_v, acc.at[di.at[3]], add=True)

    plsc.subcore_barrier()
    pltpu.sync_copy(acc.at[pl.ds(s * ROWS_T, ROWS_T)],
                    out_hbm.at[pl.ds(c * NPAD + s * ROWS_T, ROWS_T)])


@functools.partial(
    pl.kernel,
    out_type=jax.ShapeDtypeStruct((NC * NPAD, HALF), jnp.float32),
    mesh=_mesh,
    scratch_types=[
        pltpu.VMEM_SHARED((NPAD, HALF), jnp.float32),
        pltpu.VMEM((8, ECH), jnp.int32),
        pltpu.VMEM((8, ECH), jnp.int32),
        pltpu.VMEM((ECH, HALF), jnp.float32),
        pltpu.VMEM((ECH, HALF), jnp.float32),
        pltpu.SemaphoreType.DMA,
        pltpu.SemaphoreType.DMA,
    ],
)
def _prop_kernel(h_hbm, src_hbm, dst_hbm, out_hbm,
                 acc, si, di, r0, r1, sem0, sem1):
    c = lax.axis_index("c")
    s = lax.axis_index("s")
    pltpu.sync_copy(h_hbm.at[pl.ds(c * NPAD + s * ROWS_T, ROWS_T)],
                    acc.at[pl.ds(s * ROWS_T, ROWS_T)])
    plsc.subcore_barrier()

    srow = (c * NS + s) * B_CH
    drow = s * B_CH

    @pl.loop(0, B_CH, step=8)
    def _(g):
        pltpu.sync_copy(src_hbm.at[pl.ds(srow + g, 8)], si)
        pltpu.sync_copy(dst_hbm.at[pl.ds(drow + g, 8)], di)
        cp = pltpu.async_copy(h_hbm.at[si.at[0]], r0, sem0)
        cpn = pltpu.async_copy(h_hbm.at[si.at[1]], r1, sem1)
        for k in range(8):
            cp.wait()
            if k + 2 < 8:
                if k % 2 == 0:
                    pltpu.sync_copy(r0, acc.at[di.at[k]], add=True)
                    cp = cpn
                    cpn = pltpu.async_copy(h_hbm.at[si.at[k + 2]], r0, sem0)
                else:
                    pltpu.sync_copy(r1, acc.at[di.at[k]], add=True)
                    cp = cpn
                    cpn = pltpu.async_copy(h_hbm.at[si.at[k + 2]], r1, sem1)
            else:
                pltpu.sync_copy(r0 if k % 2 == 0 else r1,
                                acc.at[di.at[k]], add=True)
                cp = cpn

    plsc.subcore_barrier()
    pltpu.sync_copy(acc.at[pl.ds(s * ROWS_T, ROWS_T)],
                    out_hbm.at[pl.ds(c * NPAD + s * ROWS_T, ROWS_T)])


def _dinv_block(deg0, deg1):
    deg = deg0[:, :1] + deg1[:, :1] + 1.0
    return lax.rsqrt(jnp.maximum(deg, 1.0))


def _hp1_body(x_ref, w_ref, deg0_ref, deg1_ref, out_ref):
    dinv = _dinv_block(deg0_ref[...], deg1_ref[...])
    h = jnp.dot(x_ref[...], w_ref[...], preferred_element_type=jnp.float32)
    out_ref[...] = dinv * h


def _hp2_body(a0_ref, a1_ref, deg0_ref, deg1_ref, b_ref, w2a_ref, w2b_ref,
              out_ref):
    dinv = _dinv_block(deg0_ref[...], deg1_ref[...])
    b = b_ref[...]
    r0 = jnp.maximum(dinv * a0_ref[...] + b[0:1, :], 0.0)
    r1 = jnp.maximum(dinv * a1_ref[...] + b[1:2, :], 0.0)
    h = (jnp.dot(r0, w2a_ref[...], preferred_element_type=jnp.float32)
         + jnp.dot(r1, w2b_ref[...], preferred_element_type=jnp.float32))
    out_ref[...] = dinv * h


def _final_body(a0_ref, a1_ref, deg0_ref, deg1_ref, b_ref, batch_ref,
                wl_ref, bl_ref, out_ref, pooled, cnt):
    ib = pl.program_id(0)

    @pl.when(ib == 0)
    def _():
        pooled[...] = jnp.zeros_like(pooled)
        cnt[...] = jnp.zeros_like(cnt)

    dinv = _dinv_block(deg0_ref[...], deg1_ref[...])
    b = b_ref[...]
    r0 = jnp.maximum(dinv * a0_ref[...] + b[0:1, :], 0.0)
    r1 = jnp.maximum(dinv * a1_ref[...] + b[1:2, :], 0.0)
    h = jnp.concatenate([r0, r1], axis=1)
    bt = batch_ref[...][0]
    m = (lax.broadcasted_iota(jnp.int32, (G, RB), 0) == bt
         ).astype(jnp.float32)
    pooled[...] += jnp.dot(m, h, preferred_element_type=jnp.float32)
    cnt[...] += jnp.broadcast_to(jnp.sum(m, axis=1, keepdims=True), (G, 128))

    @pl.when(ib == pl.num_programs(0) - 1)
    def _():
        p = pooled[...] / jnp.maximum(cnt[:, :1], 1.0)
        out_ref[...] = (jnp.dot(p, wl_ref[...],
                                preferred_element_type=jnp.float32)
                        + bl_ref[...])


def _row_spec(cols):
    return pl.BlockSpec((RB, cols), lambda c, ib: (ib, 0))


def _hp1_call(x, w1, deg0, deg1):
    return pl.pallas_call(
        _hp1_body,
        grid=(NC, NBR),
        in_specs=[
            _row_spec(F_IN),
            pl.BlockSpec((F_IN, HALF), lambda c, ib: (0, c)),
            _row_spec(HALF), _row_spec(HALF),
        ],
        out_specs=pl.BlockSpec((RB, HALF), lambda c, ib: (c * NBR + ib, 0)),
        out_shape=jax.ShapeDtypeStruct((NC * NPAD, HALF), jnp.float32),
    )(x, w1, deg0, deg1)


def _hp2_call(a0, a1, deg0, deg1, b1r, w2):
    return pl.pallas_call(
        _hp2_body,
        grid=(NC, NBR),
        in_specs=[
            _row_spec(HALF), _row_spec(HALF),
            _row_spec(HALF), _row_spec(HALF),
            pl.BlockSpec((2, HALF), lambda c, ib: (0, 0)),
            pl.BlockSpec((HALF, HALF), lambda c, ib: (0, c)),
            pl.BlockSpec((HALF, HALF), lambda c, ib: (1, c)),
        ],
        out_specs=pl.BlockSpec((RB, HALF), lambda c, ib: (c * NBR + ib, 0)),
        out_shape=jax.ShapeDtypeStruct((NC * NPAD, HALF), jnp.float32),
    )(a0, a1, deg0, deg1, b1r, w2, w2)


def _final_call(a0, a1, deg0, deg1, b2r, batch3d, wl, bl2d):
    spec1 = pl.BlockSpec((RB, HALF), lambda ib: (ib, 0))
    spec16 = pl.BlockSpec((RB, HALF), lambda ib: (ib, 0))
    return pl.pallas_call(
        _final_body,
        grid=(NBR,),
        in_specs=[
            spec1, spec1, spec16, spec16,
            pl.BlockSpec((2, HALF), lambda ib: (0, 0)),
            pl.BlockSpec((1, 1, RB), lambda ib: (ib, 0, 0)),
            pl.BlockSpec((H, OUT), lambda ib: (0, 0)),
            pl.BlockSpec((1, OUT), lambda ib: (0, 0)),
        ],
        out_specs=pl.BlockSpec((G, OUT), lambda ib: (0, 0)),
        out_shape=jax.ShapeDtypeStruct((G, OUT), jnp.float32),
        scratch_shapes=[
            pltpu.VMEM((G, H), jnp.float32),
            pltpu.VMEM((G, 128), jnp.float32),
        ],
    )(a0, a1, deg0, deg1, b2r, batch3d, wl, bl2d)


def kernel(x, edge_index, batch, W1, b1, W2, b2, Wl, bl):
    src = edge_index[0].astype(jnp.int32)
    dst = edge_index[1].astype(jnp.int32)
    pad_e = EPAD - E
    srcp = jnp.concatenate([src, jnp.full((pad_e,), DUMMY, jnp.int32)])
    dstp = jnp.concatenate([dst, jnp.full((pad_e,), DUMMY, jnp.int32)])
    srcA = jnp.concatenate([srcp, srcp + NPAD]).reshape(-1, ECH)
    dst2d = dstp.reshape(-1, ECH)
    xp = jnp.zeros((NPAD, F_IN), jnp.float32).at[:N].set(x)
    batchp = jnp.full((NPAD,), G, jnp.int32).at[:N].set(batch.astype(jnp.int32))
    batch3d = batchp.reshape(NBR, 1, RB)
    zeros_h = jnp.zeros((ROWS_T, HALF), jnp.float32)
    ones_h = jnp.ones((ECH, HALF), jnp.float32)
    b1r = b1.reshape(2, HALF)
    b2r = b2.reshape(2, HALF)
    bl2d = bl.reshape(1, OUT)

    deg = _deg_kernel(dst2d, zeros_h, ones_h)
    deg0, deg1 = deg[:NPAD], deg[NPAD:]

    hp1 = _hp1_call(xp, W1, deg0, deg1)
    a1 = _prop_kernel(hp1, srcA, dst2d)
    hp2 = _hp2_call(a1[:NPAD], a1[NPAD:], deg0, deg1, b1r, W2)
    a2 = _prop_kernel(hp2, srcA, dst2d)
    return _final_call(a2[:NPAD], a2[NPAD:], deg0, deg1, b2r, batch3d, Wl,
                       bl2d)

# --- scband reference (transcript-rebuilt; emitter-appended) ---
"""Pipeline reference for scband-gnn-oracle-43121471652521 (READ-ONLY COPY).

The authoritative reference and input builder live on the scoring server;
editing this copy changes nothing except your own understanding.
"""

import jax, jax.numpy as jnp
import numpy as np

N = 10000
E = 160000
F_IN = 256
H = 256
OUT = 128
G = 64


def setup_inputs(seed: int = 0) -> dict:
    key = jax.random.key(seed)
    ks = jax.random.split(key, 9)
    x = jax.random.normal(ks[0], (N, F_IN), dtype=jnp.float32)
    edge_index = jax.random.randint(ks[1], (2, E), 0, N)
    batch = jnp.sort(jax.random.randint(ks[2], (N,), 0, G))
    W1 = jax.random.normal(ks[3], (F_IN, H), dtype=jnp.float32) * 0.05
    b1 = jnp.zeros((H,), dtype=jnp.float32)
    W2 = jax.random.normal(ks[4], (H, H), dtype=jnp.float32) * 0.05
    b2 = jnp.zeros((H,), dtype=jnp.float32)
    Wl = jax.random.normal(ks[5], (H, OUT), dtype=jnp.float32) * 0.05
    bl = jnp.zeros((OUT,), dtype=jnp.float32)
    return {"x": x, "edge_index": edge_index, "batch": batch,
            "W1": W1, "b1": b1, "W2": W2, "b2": b2, "Wl": Wl, "bl": bl}


def _gcn_conv(x, src, dst, W, b):
    # PyG GCNConv: add self-loops, symmetric normalization D^-1/2 (A+I) D^-1/2, linear first
    n = x.shape[0]
    loop = jnp.arange(n, dtype=src.dtype)
    s = jnp.concatenate([src, loop])
    d = jnp.concatenate([dst, loop])
    deg = jax.ops.segment_sum(jnp.ones(s.shape[0], dtype=x.dtype), d, num_segments=n)
    dinv = jax.lax.rsqrt(jnp.maximum(deg, 1.0))
    norm = dinv[s] * dinv[d]
    h = x @ W
    msg = h[s] * norm[:, None]
    out = jax.ops.segment_sum(msg, d, num_segments=n)
    return out + b


def reference(x, edge_index, batch, W1, b1, W2, b2, Wl, bl):
    src, dst = edge_index[0], edge_index[1]
    h = jax.nn.relu(_gcn_conv(x, src, dst, W1, b1))
    h = jax.nn.relu(_gcn_conv(h, src, dst, W2, b2))
    # global mean pool over graphs
    cnt = jax.ops.segment_sum(jnp.ones((N,), dtype=h.dtype), batch, num_segments=G)
    pooled = jax.ops.segment_sum(h, batch, num_segments=G)
    pooled = pooled / jnp.maximum(cnt, 1.0)[:, None]
    return pooled @ Wl + bl

if __name__ == "__main__":
    import jax
    _d = setup_inputs()
    print(jax.jit(kernel)(*tuple(_d.values())))

</pallas_src>

<mosaic_0001>
#map = affine_map<(d0, d1) -> (0, 0)>
module attributes {stable_mosaic.version = 14 : i64} {
  func.func @_prop_kernel(%arg0: i32, %arg1: i32, %arg2: memref<20480x128xf32, #tpu.memory_space<hbm>>, %arg3: memref<2560x128xi32, #tpu.memory_space<hbm>>, %arg4: memref<1280x128xi32, #tpu.memory_space<hbm>>, %arg5: memref<20480x128xf32, #tpu.memory_space<hbm>>, %arg6: memref<10240x128xf32, #tpu.memory_space<vmem_shared>>, %arg7: memref<8x128xi32, #tpu.memory_space<vmem>>, %arg8: memref<8x128xi32, #tpu.memory_space<vmem>>, %arg9: memref<128x128xf32, #tpu.memory_space<vmem>>, %arg10: memref<128x128xf32, #tpu.memory_space<vmem>>, %arg11: memref<!tpu.dma_semaphore, #tpu.memory_space<semaphore_mem>>, %arg12: memref<!tpu.dma_semaphore, #tpu.memory_space<semaphore_mem>>) attributes {dimension_semantics = [#tpu.dimension_semantics<core_parallel>, #tpu.dimension_semantics<subcore_parallel>], iteration_bounds = array<i64: 2, 16>, scalar_prefetch = 0 : i64, scratch_operands = 7 : i64, tpu.core_type = #tpu.core_type<sc_vector_subcore>, window_params = [{transform_indices = #map}, {transform_indices = #map}, {transform_indices = #map}, {transform_indices = #map}]} {
    %mul3A = arith.constant 10240 : i32
    %mul3A_0 = arith.muli %arg0, %mul3A : i32
    %mul3A_1 = arith.constant 640 : i32
    %mul3A_2 = arith.muli %arg1, %mul3A_1 : i32
    %add3A = arith.addi %mul3A_0, %mul3A_2 : i32
    %mul3A_3 = arith.constant 640 : i32
    %mul3A_4 = arith.muli %arg1, %mul3A_3 : i32
    "tpu.region"() ({
      %run_scoped3A = tpu.sem_alloc : memref<!tpu.dma_semaphore, #tpu.memory_space<semaphore_mem>>
      %dma_start3A = arith.constant 0 : i32
      %dma_start3A_24 = tpu.memref_slice %arg6[%mul3A_4, %dma_start3A] : memref<10240x128xf32, #tpu.memory_space<vmem_shared>> -> memref<640x128xf32, #tpu.memory_space<vmem_shared>>
      %dma_start3A_25 = arith.constant 0 : i32
      %dma_start3A_26 = tpu.memref_slice %arg2[%add3A, %dma_start3A_25] : memref<20480x128xf32, #tpu.memory_space<hbm>> -> memref<640x128xf32, #tpu.memory_space<hbm>>
      tpu.enqueue_dma source(%dma_start3A_26 : memref<640x128xf32, #tpu.memory_space<hbm>>) target(%dma_start3A_24 : memref<640x128xf32, #tpu.memory_space<vmem_shared>>) target_semaphore(%run_scoped3A : memref<!tpu.dma_semaphore, #tpu.memory_space<semaphore_mem>>)
      %dma_wait3A = arith.constant 0 : i32
      %dma_wait3A_27 = tpu.memref_slice %arg6[%mul3A_4, %dma_wait3A] : memref<10240x128xf32, #tpu.memory_space<vmem_shared>> -> memref<640x128xf32, #tpu.memory_space<vmem_shared>>
      %dma_wait3A_28 = arith.constant 0 : i32
      %dma_wait3A_29 = tpu.memref_slice %arg2[%add3A, %dma_wait3A_28] : memref<20480x128xf32, #tpu.memory_space<hbm>> -> memref<640x128xf32, #tpu.memory_space<hbm>>
      tpu.wait_dma2 semaphore(%run_scoped3A : memref<!tpu.dma_semaphore, #tpu.memory_space<semaphore_mem>>) src(%dma_wait3A_29 : memref<640x128xf32, #tpu.memory_space<hbm>>) dst(%dma_wait3A_27 : memref<640x128xf32, #tpu.memory_space<vmem_shared>>)
      tpu.yield
    }) : () -> ()
    %barrier3A = arith.constant 0 : index
    tpu.barrier barrier_id(%barrier3A)
    %mul3A_5 = arith.constant 16 : i32
    %mul3A_6 = arith.muli %arg0, %mul3A_5 : i32
    %add3A_7 = arith.addi %mul3A_6, %arg1 : i32
    %mul3A_8 = arith.constant 80 : i32
    %mul3A_9 = arith.muli %add3A_7, %mul3A_8 : i32
    %mul3A_10 = arith.constant 80 : i32
    %mul3A_11 = arith.muli %arg1, %mul3A_10 : i32
    %scan3A = arith.constant 0 : i32
    %scan3A_12 = arith.constant 10 : i32
    %scan3A_13 = arith.addi %scan3A, %scan3A_12 : i32
    %scan3A_14 = arith.constant 1 : i32
    scf.for %scan3A_24 = %scan3A to %scan3A_13 step %scan3A_14  : i32 {
      %mul3A_25 = arith.constant 8 : i32
      %mul3A_26 = arith.muli %scan3A_24, %mul3A_25 : i32
      %add3A_27 = arith.constant 0 : i32
      %add3A_28 = arith.addi %add3A_27, %mul3A_26 : i32
      %add3A_29 = arith.addi %mul3A_9, %add3A_28 : i32
      "tpu.region"() ({
        %run_scoped3A_148 = tpu.sem_alloc : memref<!tpu.dma_semaphore, #tpu.memory_space<semaphore_mem>>
        %dma_start3A_149 = arith.constant 0 : i32
        %dma_start3A_150 = tpu.memref_slice %arg3[%add3A_29, %dma_start3A_149] : memref<2560x128xi32, #tpu.memory_space<hbm>> -> memref<8x128xi32, #tpu.memory_space<hbm>>
        %dma_start3A_151 = arith.constant 0 : i32
        %dma_start3A_152 = tpu.memref_slice %arg3[%add3A_29, %dma_start3A_151] : memref<2560x128xi32, #tpu.memory_space<hbm>> -> memref<8x128xi32, #tpu.memory_space<hbm>>
        tpu.enqueue_dma source(%dma_start3A_152 : memref<8x128xi32, #tpu.memory_space<hbm>>) target(%arg7 : memref<8x128xi32, #tpu.memory_space<vmem>>) target_semaphore(%run_scoped3A_148 : memref<!tpu.dma_semaphore, #tpu.memory_space<semaphore_mem>>)
        %dma_wait3A_153 = arith.constant 0 : i32
        %dma_wait3A_154 = tpu.memref_slice %arg3[%add3A_29, %dma_wait3A_153] : memref<2560x128xi32, #tpu.memory_space<hbm>> -> memref<8x128xi32, #tpu.memory_space<hbm>>
        %dma_wait3A_155 = arith.constant 0 : i32
        %dma_wait3A_156 = tpu.memref_slice %arg3[%add3A_29, %dma_wait3A_155] : memref<2560x128xi32, #tpu.memory_space<hbm>> -> memref<8x128xi32, #tpu.memory_space<hbm>>
        tpu.wait_dma2 semaphore(%run_scoped3A_148 : memref<!tpu.dma_semaphore, #tpu.memory_space<semaphore_mem>>) src(%dma_wait3A_156 : memref<8x128xi32, #tpu.memory_space<hbm>>) dst(%arg7 : memref<8x128xi32, #tpu.memory_space<vmem>>)
        tpu.yield
      }) : () -> ()
      %add3A_30 = arith.addi %mul3A_11, %add3A_28 : i32
      "tpu.region"() ({
        %run_scoped3A_148 = tpu.sem_alloc : memref<!tpu.dma_semaphore, #tpu.memory_space<semaphore_mem>>
        %dma_start3A_149 = arith.constant 0 : i32
        %dma_start3A_150 = tpu.memref_slice %arg4[%add3A_30, %dma_start3A_149] : memref<1280x128xi32, #tpu.memory_space<hbm>> -> memref<8x128xi32, #tpu.memory_space<hbm>>
        %dma_start3A_151 = arith.constant 0 : i32
        %dma_start3A_152 = tpu.memref_slice %arg4[%add3A_30, %dma_start3A_151] : memref<1280x128xi32, #tpu.memory_space<hbm>> -> memref<8x128xi32, #tpu.memory_space<hbm>>
        tpu.enqueue_dma source(%dma_start3A_152 : memref<8x128xi32, #tpu.memory_space<hbm>>) target(%arg8 : memref<8x128xi32, #tpu.memory_space<vmem>>) target_semaphore(%run_scoped3A_148 : memref<!tpu.dma_semaphore, #tpu.memory_space<semaphore_mem>>)
        %dma_wait3A_153 = arith.constant 0 : i32
        %dma_wait3A_154 = tpu.memref_slice %arg4[%add3A_30, %dma_wait3A_153] : memref<1280x128xi32, #tpu.memory_space<hbm>> -> memref<8x128xi32, #tpu.memory_space<hbm>>
        %dma_wait3A_155 = arith.constant 0 : i32
        %dma_wait3A_156 = tpu.memref_slice %arg4[%add3A_30, %dma_wait3A_155] : memref<1280x128xi32, #tpu.memory_space<hbm>> -> memref<8x128xi32, #tpu.memory_space<hbm>>
        tpu.wait_dma2 semaphore(%run_scoped3A_148 : memref<!tpu.dma_semaphore, #tpu.memory_space<semaphore_mem>>) src(%dma_wait3A_156 : memref<8x128xi32, #tpu.memory_space<hbm>>) dst(%arg8 : memref<8x128xi32, #tpu.memory_space<vmem>>)
        tpu.yield
      }) : () -> ()
      %dma_start3A = arith.constant 0 : i32
      %dma_start3A_31 = arith.constant 0 : i32
      %dma_start3A_32 = tpu.memref_slice %arg7[%dma_start3A, %dma_start3A_31] : memref<8x128xi32, #tpu.memory_space<vmem>> -> memref<1x128xi32, #tpu.memory_space<vmem>>
      %dma_start3A_33 = tpu.memref_squeeze %dma_start3A_32 : memref<1x128xi32, #tpu.memory_space<vmem>> -> memref<128xi32, #tpu.memory_space<vmem>>
      %dma_start3A_34 = arith.constant 0 : i32
      %dma_start3A_35 = arith.constant 0 : i32
      %dma_start3A_36 = tpu.memref_slice %arg2[%dma_start3A_34, %dma_start3A_35] : memref<20480x128xf32, #tpu.memory_space<hbm>> -> memref<20480x128xf32, #tpu.memory_space<hbm>>
      tpu.enqueue_indirect_dma source(%dma_start3A_36 : memref<20480x128xf32, #tpu.memory_space<hbm>>) target(%arg9 : memref<128x128xf32, #tpu.memory_space<vmem>>) offsets(%dma_start3A_33 : memref<128xi32, #tpu.memory_space<vmem>>) semaphore(%arg11 : memref<!tpu.dma_semaphore, #tpu.memory_space<semaphore_mem>>)
      %dma_start3A_37 = arith.constant 1 : i32
      %dma_start3A_38 = arith.constant 0 : i32
      %dma_start3A_39 = tpu.memref_slice %arg7[%dma_start3A_37, %dma_start3A_38] : memref<8x128xi32, #tpu.memory_space<vmem>> -> memref<1x128xi32, #tpu.memory_space<vmem>>
      %dma_start3A_40 = tpu.memref_squeeze %dma_start3A_39 : memref<1x128xi32, #tpu.memory_space<vmem>> -> memref<128xi32, #tpu.memory_space<vmem>>
      %dma_start3A_41 = arith.constant 0 : i32
      %dma_start3A_42 = arith.constant 0 : i32
      %dma_start3A_43 = tpu.memref_slice %arg2[%dma_start3A_41, %dma_start3A_42] : memref<20480x128xf32, #tpu.memory_space<hbm>> -> memref<20480x128xf32, #tpu.memory_space<hbm>>
      tpu.enqueue_indirect_dma source(%dma_start3A_43 : memref<20480x128xf32, #tpu.memory_space<hbm>>) target(%arg10 : memref<128x128xf32, #tpu.memory_space<vmem>>) offsets(%dma_start3A_40 : memref<128xi32, #tpu.memory_space<vmem>>) semaphore(%arg12 : memref<!tpu.dma_semaphore, #tpu.memory_space<semaphore_mem>>)
      %dma_wait3A = arith.constant 0 : i32
      %dma_wait3A_44 = arith.constant 0 : i32
      %dma_wait3A_45 = tpu.memref_slice %arg7[%dma_wait3A, %dma_wait3A_44] : memref<8x128xi32, #tpu.memory_space<vmem>> -> memref<1x128xi32, #tpu.memory_space<vmem>>
      %dma_wait3A_46 = tpu.memref_squeeze %dma_wait3A_45 : memref<1x128xi32, #tpu.memory_space<vmem>> -> memref<128xi32, #tpu.memory_space<vmem>>
      %dma_wait3A_47 = arith.constant 0 : i32
      %dma_wait3A_48 = arith.constant 0 : i32
      %dma_wait3A_49 = tpu.memref_slice %arg2[%dma_wait3A_47, %dma_wait3A_48] : memref<20480x128xf32, #tpu.memory_space<hbm>> -> memref<20480x128xf32, #tpu.memory_space<hbm>>
      tpu.wait_indirect_dma semaphore(%arg11 : memref<!tpu.dma_semaphore, #tpu.memory_space<semaphore_mem>>) src(%dma_wait3A_49 : memref<20480x128xf32, #tpu.memory_space<hbm>>) dst(%arg9 : memref<128x128xf32, #tpu.memory_space<vmem>>)
      %run_scoped3A = arith.constant 0 : i32
      "tpu.region"() ({
        %run_scoped3A_148 = tpu.sem_alloc : memref<!tpu.dma_semaphore, #tpu.memory_space<semaphore_mem>>
        %dma_start3A_149 = arith.constant 0 : i32
        %dma_start3A_150 = tpu.memref_slice %arg8[%run_scoped3A, %dma_start3A_149] : memref<8x128xi32, #tpu.memory_space<vmem>> -> memref<1x128xi32, #tpu.memory_space<vmem>>
        %dma_start3A_151 = tpu.memref_squeeze %dma_start3A_150 : memref<1x128xi32, #tpu.memory_space<vmem>> -> memref<128xi32, #tpu.memory_space<vmem>>
        %dma_start3A_152 = arith.constant 0 : i32
        %dma_start3A_153 = arith.constant 0 : i32
        %dma_start3A_154 = tpu.memref_slice %arg6[%dma_start3A_152, %dma_start3A_153] : memref<10240x128xf32, #tpu.memory_space<vmem_shared>> -> memref<10240x128xf32, #tpu.memory_space<vmem_shared>>
        tpu.enqueue_indirect_dma source(%arg9 : memref<128x128xf32, #tpu.memory_space<vmem>>) target(%dma_start3A_154 : memref<10240x128xf32, #tpu.memory_space<vmem_shared>>) offsets(%dma_start3A_151 : memref<128xi32, #tpu.memory_space<vmem>>) semaphore(%run_scoped3A_148 : memref<!tpu.dma_semaphore, #tpu.memory_space<semaphore_mem>>) {add = true}
        %dma_wait3A_155 = arith.constant 0 : i32
        %dma_wait3A_156 = tpu.memref_slice %arg8[%run_scoped3A, %dma_wait3A_155] : memref<8x128xi32, #tpu.memory_space<vmem>> -> memref<1x128xi32, #tpu.memory_space<vmem>>
        %dma_wait3A_157 = tpu.memref_squeeze %dma_wait3A_156 : memref<1x128xi32, #tpu.memory_space<vmem>> -> memref<128xi32, #tpu.memory_space<vmem>>
        %dma_wait3A_158 = arith.constant 0 : i32
        %dma_wait3A_159 = arith.constant 0 : i32
        %dma_wait3A_160 = tpu.memref_slice %arg6[%dma_wait3A_158, %dma_wait3A_159] : memref<10240x128xf32, #tpu.memory_space<vmem_shared>> -> memref<10240x128xf32, #tpu.memory_space<vmem_shared>>
        tpu.wait_indirect_dma semaphore(%run_scoped3A_148 : memref<!tpu.dma_semaphore, #tpu.memory_space<semaphore_mem>>) src(%arg9 : memref<128x128xf32, #tpu.memory_space<vmem>>) dst(%dma_wait3A_160 : memref<10240x128xf32, #tpu.memory_space<vmem_shared>>)
        tpu.yield
      }) : () -> ()
      %dma_start3A_50 = arith.constant 2 : i32
      %dma_start3A_51 = arith.constant 0 : i32
      %dma_start3A_52 = tpu.memref_slice %arg7[%dma_start3A_50, %dma_start3A_51] : memref<8x128xi32, #tpu.memory_space<vmem>> -> memref<1x128xi32, #tpu.memory_space<vmem>>
      %dma_start3A_53 = tpu.memref_squeeze %dma_start3A_52 : memref<1x128xi32, #tpu.memory_space<vmem>> -> memref<128xi32, #tpu.memory_space<vmem>>
      %dma_start3A_54 = arith.constant 0 : i32
      %dma_start3A_55 = arith.constant 0 : i32
      %dma_start3A_56 = tpu.memref_slice %arg2[%dma_start3A_54, %dma_start3A_55] : memref<20480x128xf32, #tpu.memory_space<hbm>> -> memref<20480x128xf32, #tpu.memory_space<hbm>>
      tpu.enqueue_indirect_dma source(%dma_start3A_56 : memref<20480x128xf32, #tpu.memory_space<hbm>>) target(%arg9 : memref<128x128xf32, #tpu.memory_space<vmem>>) offsets(%dma_start3A_53 : memref<128xi32, #tpu.memory_space<vmem>>) semaphore(%arg11 : memref<!tpu.dma_semaphore, #tpu.memory_space<semaphore_mem>>)
      %dma_wait3A_57 = arith.constant 1 : i32
      %dma_wait3A_58 = arith.constant 0 : i32
      %dma_wait3A_59 = tpu.memref_slice %arg7[%dma_wait3A_57, %dma_wait3A_58] : memref<8x128xi32, #tpu.memory_space<vmem>> -> memref<1x128xi32, #tpu.memory_space<vmem>>
      %dma_wait3A_60 = tpu.memref_squeeze %dma_wait3A_59 : memref<1x128xi32, #tpu.memory_space<vmem>> -> memref<128xi32, #tpu.memory_space<vmem>>
      %dma_wait3A_61 = arith.constant 0 : i32
      %dma_wait3A_62 = arith.constant 0 : i32
      %dma_wait3A_63 = tpu.memref_slice %arg2[%dma_wait3A_61, %dma_wait3A_62] : memref<20480x128xf32, #tpu.memory_space<hbm>> -> memref<20480x128xf32, #tpu.memory_space<hbm>>
      tpu.wait_indirect_dma semaphore(%arg12 : memref<!tpu.dma_semaphore, #tpu.memory_space<semaphore_mem>>) src(%dma_wait3A_63 : memref<20480x128xf32, #tpu.memory_space<hbm>>) dst(%arg10 : memref<128x128xf32, #tpu.memory_space<vmem>>)
      %run_scoped3A_64 = arith.constant 1 : i32
      "tpu.region"() ({
        %run_scoped3A_148 = tpu.sem_alloc : memref<!tpu.dma_semaphore, #tpu.memory_space<semaphore_mem>>
        %dma_start3A_149 = arith.constant 0 : i32
        %dma_start3A_150 = tpu.memref_slice %arg8[%run_scoped3A_64, %dma_start3A_149] : memref<8x128xi32, #tpu.memory_space<vmem>> -> memref<1x128xi32, #tpu.memory_space<vmem>>
        %dma_start3A_151 = tpu.memref_squeeze %dma_start3A_150 : memref<1x128xi32, #tpu.memory_space<vmem>> -> memref<128xi32, #tpu.memory_space<vmem>>
        %dma_start3A_152 = arith.constant 0 : i32
        %dma_start3A_153 = arith.constant 0 : i32
        %dma_start3A_154 = tpu.memref_slice %arg6[%dma_start3A_152, %dma_start3A_153] : memref<10240x128xf32, #tpu.memory_space<vmem_shared>> -> memref<10240x128xf32, #tpu.memory_space<vmem_shared>>
        tpu.enqueue_indirect_dma source(%arg10 : memref<128x128xf32, #tpu.memory_space<vmem>>) target(%dma_start3A_154 : memref<10240x128xf32, #tpu.memory_space<vmem_shared>>) offsets(%dma_start3A_151 : memref<128xi32, #tpu.memory_space<vmem>>) semaphore(%run_scoped3A_148 : memref<!tpu.dma_semaphore, #tpu.memory_space<semaphore_mem>>) {add = true}
        %dma_wait3A_155 = arith.constant 0 : i32
        %dma_wait3A_156 = tpu.memref_slice %arg8[%run_scoped3A_64, %dma_wait3A_155] : memref<8x128xi32, #tpu.memory_space<vmem>> -> memref<1x128xi32, #tpu.memory_space<vmem>>
        %dma_wait3A_157 = tpu.memref_squeeze %dma_wait3A_156 : memref<1x128xi32, #tpu.memory_space<vmem>> -> memref<128xi32, #tpu.memory_space<vmem>>
        %dma_wait3A_158 = arith.constant 0 : i32
        %dma_wait3A_159 = arith.constant 0 : i32
        %dma_wait3A_160 = tpu.memref_slice %arg6[%dma_wait3A_158, %dma_wait3A_159] : memref<10240x128xf32, #tpu.memory_space<vmem_shared>> -> memref<10240x128xf32, #tpu.memory_space<vmem_shared>>
        tpu.wait_indirect_dma semaphore(%run_scoped3A_148 : memref<!tpu.dma_semaphore, #tpu.memory_space<semaphore_mem>>) src(%arg10 : memref<128x128xf32, #tpu.memory_space<vmem>>) dst(%dma_wait3A_160 : memref<10240x128xf32, #tpu.memory_space<vmem_shared>>)
        tpu.yield
      }) : () -> ()
      %dma_start3A_65 = arith.constant 3 : i32
      %dma_start3A_66 = arith.constant 0 : i32
      %dma_start3A_67 = tpu.memref_slice %arg7[%dma_start3A_65, %dma_start3A_66] : memref<8x128xi32, #tpu.memory_space<vmem>> -> memref<1x128xi32, #tpu.memory_space<vmem>>
      %dma_start3A_68 = tpu.memref_squeeze %dma_start3A_67 : memref<1x128xi32, #tpu.memory_space<vmem>> -> memref<128xi32, #tpu.memory_space<vmem>>
      %dma_start3A_69 = arith.constant 0 : i32
      %dma_start3A_70 = arith.constant 0 : i32
      %dma_start3A_71 = tpu.memref_slice %arg2[%dma_start3A_69, %dma_start3A_70] : memref<20480x128xf32, #tpu.memory_space<hbm>> -> memref<20480x128xf32, #tpu.memory_space<hbm>>
      tpu.enqueue_indirect_dma source(%dma_start3A_71 : memref<20480x128xf32, #tpu.memory_space<hbm>>) target(%arg10 : memref<128x128xf32, #tpu.memory_space<vmem>>) offsets(%dma_start3A_68 : memref<128xi32, #tpu.memory_space<vmem>>) semaphore(%arg12 : memref<!tpu.dma_semaphore, #tpu.memory_space<semaphore_mem>>)
      %dma_wait3A_72 = arith.constant 2 : i32
      %dma_wait3A_73 = arith.constant 0 : i32
      %dma_wait3A_74 = tpu.memref_slice %arg7[%dma_wait3A_72, %dma_wait3A_73] : memref<8x128xi32, #tpu.memory_space<vmem>> -> memref<1x128xi32, #tpu.memory_space<vmem>>
      %dma_wait3A_75 = tpu.memref_squeeze %dma_wait3A_74 : memref<1x128xi32, #tpu.memory_space<vmem>> -> memref<128xi32, #tpu.memory_space<vmem>>
      %dma_wait3A_76 = arith.constant 0 : i32
      %dma_wait3A_77 = arith.constant 0 : i32
      %dma_wait3A_78 = tpu.memref_slice %arg2[%dma_wait3A_76, %dma_wait3A_77] : memref<20480x128xf32, #tpu.memory_space<hbm>> -> memref<20480x128xf32, #tpu.memory_space<hbm>>
      tpu.wait_indirect_dma semaphore(%arg11 : memref<!tpu.dma_semaphore, #tpu.memory_space<semaphore_mem>>) src(%dma_wait3A_78 : memref<20480x128xf32, #tpu.memory_space<hbm>>) dst(%arg9 : memref<128x128xf32, #tpu.memory_space<vmem>>)
      %run_scoped3A_79 = arith.constant 2 : i32
      "tpu.region"() ({
        %run_scoped3A_148 = tpu.sem_alloc : memref<!tpu.dma_semaphore, #tpu.memory_space<semaphore_mem>>
        %dma_start3A_149 = arith.constant 0 : i32
        %dma_start3A_150 = tpu.memref_slice %arg8[%run_scoped3A_79, %dma_start3A_149] : memref<8x128xi32, #tpu.memory_space<vmem>> -> memref<1x128xi32, #tpu.memory_space<vmem>>
        %dma_start3A_151 = tpu.memref_squeeze %dma_start3A_150 : memref<1x128xi32, #tpu.memory_space<vmem>> -> memref<128xi32, #tpu.memory_space<vmem>>
        %dma_start3A_152 = arith.constant 0 : i32
        %dma_start3A_153 = arith.constant 0 : i32
        %dma_start3A_154 = tpu.memref_slice %arg6[%dma_start3A_152, %dma_start3A_153] : memref<10240x128xf32, #tpu.memory_space<vmem_shared>> -> memref<10240x128xf32, #tpu.memory_space<vmem_shared>>
        tpu.enqueue_indirect_dma source(%arg9 : memref<128x128xf32, #tpu.memory_space<vmem>>) target(%dma_start3A_154 : memref<10240x128xf32, #tpu.memory_space<vmem_shared>>) offsets(%dma_start3A_151 : memref<128xi32, #tpu.memory_space<vmem>>) semaphore(%run_scoped3A_148 : memref<!tpu.dma_semaphore, #tpu.memory_space<semaphore_mem>>) {add = true}
        %dma_wait3A_155 = arith.constant 0 : i32
        %dma_wait3A_156 = tpu.memref_slice %arg8[%run_scoped3A_79, %dma_wait3A_155] : memref<8x128xi32, #tpu.memory_space<vmem>> -> memref<1x128xi32, #tpu.memory_space<vmem>>
        %dma_wait3A_157 = tpu.memref_squeeze %dma_wait3A_156 : memref<1x128xi32, #tpu.memory_space<vmem>> -> memref<128xi32, #tpu.memory_space<vmem>>
        %dma_wait3A_158 = arith.constant 0 : i32
        %dma_wait3A_159 = arith.constant 0 : i32
        %dma_wait3A_160 = tpu.memref_slice %arg6[%dma_wait3A_158, %dma_wait3A_159] : memref<10240x128xf32, #tpu.memory_space<vmem_shared>> -> memref<10240x128xf32, #tpu.memory_space<vmem_shared>>
        tpu.wait_indirect_dma semaphore(%run_scoped3A_148 : memref<!tpu.dma_semaphore, #tpu.memory_space<semaphore_mem>>) src(%arg9 : memref<128x128xf32, #tpu.memory_space<vmem>>) dst(%dma_wait3A_160 : memref<10240x128xf32, #tpu.memory_space<vmem_shared>>)
        tpu.yield
      }) : () -> ()
      %dma_start3A_80 = arith.constant 4 : i32
      %dma_start3A_81 = arith.constant 0 : i32
      %dma_start3A_82 = tpu.memref_slice %arg7[%dma_start3A_80, %dma_start3A_81] : memref<8x128xi32, #tpu.memory_space<vmem>> -> memref<1x128xi32, #tpu.memory_space<vmem>>
      %dma_start3A_83 = tpu.memref_squeeze %dma_start3A_82 : memref<1x128xi32, #tpu.memory_space<vmem>> -> memref<128xi32, #tpu.memory_space<vmem>>
      %dma_start3A_84 = arith.constant 0 : i32
      %dma_start3A_85 = arith.constant 0 : i32
      %dma_start3A_86 = tpu.memref_slice %arg2[%dma_start3A_84, %dma_start3A_85] : memref<20480x128xf32, #tpu.memory_space<hbm>> -> memref<20480x128xf32, #tpu.memory_space<hbm>>
      tpu.enqueue_indirect_dma source(%dma_start3A_86 : memref<20480x128xf32, #tpu.memory_space<hbm>>) target(%arg9 : memref<128x128xf32, #tpu.memory_space<vmem>>) offsets(%dma_start3A_83 : memref<128xi32, #tpu.memory_space<vmem>>) semaphore(%arg11 : memref<!tpu.dma_semaphore, #tpu.memory_space<semaphore_mem>>)
      %dma_wait3A_87 = arith.constant 3 : i32
      %dma_wait3A_88 = arith.constant 0 : i32
      %dma_wait3A_89 = tpu.memref_slice %arg7[%dma_wait3A_87, %dma_wait3A_88] : memref<8x128xi32, #tpu.memory_space<vmem>> -> memref<1x128xi32, #tpu.memory_space<vmem>>
      %dma_wait3A_90 = tpu.memref_squeeze %dma_wait3A_89 : memref<1x128xi32, #tpu.memory_space<vmem>> -> memref<128xi32, #tpu.memory_space<vmem>>
      %dma_wait3A_91 = arith.constant 0 : i32
      %dma_wait3A_92 = arith.constant 0 : i32
      %dma_wait3A_93 = tpu.memref_slice %arg2[%dma_wait3A_91, %dma_wait3A_92] : memref<20480x128xf32, #tpu.memory_space<hbm>> -> memref<20480x128xf32, #tpu.memory_space<hbm>>
      tpu.wait_indirect_dma semaphore(%arg12 : memref<!tpu.dma_semaphore, #tpu.memory_space<semaphore_mem>>) src(%dma_wait3A_93 : memref<20480x128xf32, #tpu.memory_space<hbm>>) dst(%arg10 : memref<128x128xf32, #tpu.memory_space<vmem>>)
      %run_scoped3A_94 = arith.constant 3 : i32
      "tpu.region"() ({
        %run_scoped3A_148 = tpu.sem_alloc : memref<!tpu.dma_semaphore, #tpu.memory_space<semaphore_mem>>
        %dma_start3A_149 = arith.constant 0 : i32
        %dma_start3A_150 = tpu.memref_slice %arg8[%run_scoped3A_94, %dma_start3A_149] : memref<8x128xi32, #tpu.memory_space<vmem>> -> memref<1x128xi32, #tpu.memory_space<vmem>>
        %dma_start3A_151 = tpu.memref_squeeze %dma_start3A_150 : memref<1x128xi32, #tpu.memory_space<vmem>> -> memref<128xi32, #tpu.memory_space<vmem>>
        %dma_start3A_152 = arith.constant 0 : i32
        %dma_start3A_153 = arith.constant 0 : i32
        %dma_start3A_154 = tpu.memref_slice %arg6[%dma_start3A_152, %dma_start3A_153] : memref<10240x128xf32, #tpu.memory_space<vmem_shared>> -> memref<10240x128xf32, #tpu.memory_space<vmem_shared>>
        tpu.enqueue_indirect_dma source(%arg10 : memref<128x128xf32, #tpu.memory_space<vmem>>) target(%dma_start3A_154 : memref<10240x128xf32, #tpu.memory_space<vmem_shared>>) offsets(%dma_start3A_151 : memref<128xi32, #tpu.memory_space<vmem>>) semaphore(%run_scoped3A_148 : memref<!tpu.dma_semaphore, #tpu.memory_space<semaphore_mem>>) {add = true}
        %dma_wait3A_155 = arith.constant 0 : i32
        %dma_wait3A_156 = tpu.memref_slice %arg8[%run_scoped3A_94, %dma_wait3A_155] : memref<8x128xi32, #tpu.memory_space<vmem>> -> memref<1x128xi32, #tpu.memory_space<vmem>>
        %dma_wait3A_157 = tpu.memref_squeeze %dma_wait3A_156 : memref<1x128xi32, #tpu.memory_space<vmem>> -> memref<128xi32, #tpu.memory_space<vmem>>
        %dma_wait3A_158 = arith.constant 0 : i32
        %dma_wait3A_159 = arith.constant 0 : i32
        %dma_wait3A_160 = tpu.memref_slice %arg6[%dma_wait3A_158, %dma_wait3A_159] : memref<10240x128xf32, #tpu.memory_space<vmem_shared>> -> memref<10240x128xf32, #tpu.memory_space<vmem_shared>>
        tpu.wait_indirect_dma semaphore(%run_scoped3A_148 : memref<!tpu.dma_semaphore, #tpu.memory_space<semaphore_mem>>) src(%arg10 : memref<128x128xf32, #tpu.memory_space<vmem>>) dst(%dma_wait3A_160 : memref<10240x128xf32, #tpu.memory_space<vmem_shared>>)
        tpu.yield
      }) : () -> ()
      %dma_start3A_95 = arith.constant 5 : i32
      %dma_start3A_96 = arith.constant 0 : i32
      %dma_start3A_97 = tpu.memref_slice %arg7[%dma_start3A_95, %dma_start3A_96] : memref<8x128xi32, #tpu.memory_space<vmem>> -> memref<1x128xi32, #tpu.memory_space<vmem>>
      %dma_start3A_98 = tpu.memref_squeeze %dma_start3A_97 : memref<1x128xi32, #tpu.memory_space<vmem>> -> memref<128xi32, #tpu.memory_space<vmem>>
      %dma_start3A_99 = arith.constant 0 : i32
      %dma_start3A_100 = arith.constant 0 : i32
      %dma_start3A_101 = tpu.memref_slice %arg2[%dma_start3A_99, %dma_start3A_100] : memref<20480x128xf32, #tpu.memory_space<hbm>> -> memref<20480x128xf32, #tpu.memory_space<hbm>>
      tpu.enqueue_indirect_dma source(%dma_start3A_101 : memref<20480x128xf32, #tpu.memory_space<hbm>>) target(%arg10 : memref<128x128xf32, #tpu.memory_space<vmem>>) offsets(%dma_start3A_98 : memref<128xi32, #tpu.memory_space<vmem>>) semaphore(%arg12 : memref<!tpu.dma_semaphore, #tpu.memory_space<semaphore_mem>>)
      %dma_wait3A_102 = arith.constant 4 : i32
      %dma_wait3A_103 = arith.constant 0 : i32
      %dma_wait3A_104 = tpu.memref_slice %arg7[%dma_wait3A_102, %dma_wait3A_103] : memref<8x128xi32, #tpu.memory_space<vmem>> -> memref<1x128xi32, #tpu.memory_space<vmem>>
      %dma_wait3A_105 = tpu.memref_squeeze %dma_wait3A_104 : memref<1x128xi32, #tpu.memory_space<vmem>> -> memref<128xi32, #tpu.memory_space<vmem>>
      %dma_wait3A_106 = arith.constant 0 : i32
      %dma_wait3A_107 = arith.constant 0 : i32
      %dma_wait3A_108 = tpu.memref_slice %arg2[%dma_wait3A_106, %dma_wait3A_107] : memref<20480x128xf32, #tpu.memory_space<hbm>> -> memref<20480x128xf32, #tpu.memory_space<hbm>>
      tpu.wait_indirect_dma semaphore(%arg11 : memref<!tpu.dma_semaphore, #tpu.memory_space<semaphore_mem>>) src(%dma_wait3A_108 : memref<20480x128xf32, #tpu.memory_space<hbm>>) dst(%arg9 : memref<128x128xf32, #tpu.memory_space<vmem>>)
      %run_scoped3A_109 = arith.constant 4 : i32
      "tpu.region"() ({
        %run_scoped3A_148 = tpu.sem_alloc : memref<!tpu.dma_semaphore, #tpu.memory_space<semaphore_mem>>
        %dma_start3A_149 = arith.constant 0 : i32
        %dma_start3A_150 = tpu.memref_slice %arg8[%run_scoped3A_109, %dma_start3A_149] : memref<8x128xi32, #tpu.memory_space<vmem>> -> memref<1x128xi32, #tpu.memory_space<vmem>>
        %dma_start3A_151 = tpu.memref_squeeze %dma_start3A_150 : memref<1x128xi32, #tpu.memory_space<vmem>> -> memref<128xi32, #tpu.memory_space<vmem>>
        %dma_start3A_152 = arith.constant 0 : i32
        %dma_start3A_153 = arith.constant 0 : i32
        %dma_start3A_154 = tpu.memref_slice %arg6[%dma_start3A_152, %dma_start3A_153] : memref<10240x128xf32, #tpu.memory_space<vmem_shared>> -> memref<10240x128xf32, #tpu.memory_space<vmem_shared>>
        tpu.enqueue_indirect_dma source(%arg9 : memref<128x128xf32, #tpu.memory_space<vmem>>) target(%dma_start3A_154 : memref<10240x128xf32, #tpu.memory_space<vmem_shared>>) offsets(%dma_start3A_151 : memref<128xi32, #tpu.memory_space<vmem>>) semaphore(%run_scoped3A_148 : memref<!tpu.dma_semaphore, #tpu.memory_space<semaphore_mem>>) {add = true}
        %dma_wait3A_155 = arith.constant 0 : i32
        %dma_wait3A_156 = tpu.memref_slice %arg8[%run_scoped3A_109, %dma_wait3A_155] : memref<8x128xi32, #tpu.memory_space<vmem>> -> memref<1x128xi32, #tpu.memory_space<vmem>>
        %dma_wait3A_157 = tpu.memref_squeeze %dma_wait3A_156 : memref<1x128xi32, #tpu.memory_space<vmem>> -> memref<128xi32, #tpu.memory_space<vmem>>
        %dma_wait3A_158 = arith.constant 0 : i32
        %dma_wait3A_159 = arith.constant 0 : i32
        %dma_wait3A_160 = tpu.memref_slice %arg6[%dma_wait3A_158, %dma_wait3A_159] : memref<10240x128xf32, #tpu.memory_space<vmem_shared>> -> memref<10240x128xf32, #tpu.memory_space<vmem_shared>>
        tpu.wait_indirect_dma semaphore(%run_scoped3A_148 : memref<!tpu.dma_semaphore, #tpu.memory_space<semaphore_mem>>) src(%arg9 : memref<128x128xf32, #tpu.memory_space<vmem>>) dst(%dma_wait3A_160 : memref<10240x128xf32, #tpu.memory_space<vmem_shared>>)
        tpu.yield
      }) : () -> ()
      %dma_start3A_110 = arith.constant 6 : i32
      %dma_start3A_111 = arith.constant 0 : i32
      %dma_start3A_112 = tpu.memref_slice %arg7[%dma_start3A_110, %dma_start3A_111] : memref<8x128xi32, #tpu.memory_space<vmem>> -> memref<1x128xi32, #tpu.memory_space<vmem>>
      %dma_start3A_113 = tpu.memref_squeeze %dma_start3A_112 : memref<1x128xi32, #tpu.memory_space<vmem>> -> memref<128xi32, #tpu.memory_space<vmem>>
      %dma_start3A_114 = arith.constant 0 : i32
      %dma_start3A_115 = arith.constant 0 : i32
      %dma_start3A_116 = tpu.memref_slice %arg2[%dma_start3A_114, %dma_start3A_115] : memref<20480x128xf32, #tpu.memory_space<hbm>> -> memref<20480x128xf32, #tpu.memory_space<hbm>>
      tpu.enqueue_indirect_dma source(%dma_start3A_116 : memref<20480x128xf32, #tpu.memory_space<hbm>>) target(%arg9 : memref<128x128xf32, #tpu.memory_space<vmem>>) offsets(%dma_start3A_113 : memref<128xi32, #tpu.memory_space<vmem>>) semaphore(%arg11 : memref<!tpu.dma_semaphore, #tpu.memory_space<semaphore_mem>>)
      %dma_wait3A_117 = arith.constant 5 : i32
      %dma_wait3A_118 = arith.constant 0 : i32
      %dma_wait3A_119 = tpu.memref_slice %arg7[%dma_wait3A_117, %dma_wait3A_118] : memref<8x128xi32, #tpu.memory_space<vmem>> -> memref<1x128xi32, #tpu.memory_space<vmem>>
      %dma_wait3A_120 = tpu.memref_squeeze %dma_wait3A_119 : memref<1x128xi32, #tpu.memory_space<vmem>> -> memref<128xi32, #tpu.memory_space<vmem>>
      %dma_wait3A_121 = arith.constant 0 : i32
      %dma_wait3A_122 = arith.constant 0 : i32
      %dma_wait3A_123 = tpu.memref_slice %arg2[%dma_wait3A_121, %dma_wait3A_122] : memref<20480x128xf32, #tpu.memory_space<hbm>> -> memref<20480x128xf32, #tpu.memory_space<hbm>>
      tpu.wait_indirect_dma semaphore(%arg12 : memref<!tpu.dma_semaphore, #tpu.memory_space<semaphore_mem>>) src(%dma_wait3A_123 : memref<20480x128xf32, #tpu.memory_space<hbm>>) dst(%arg10 : memref<128x128xf32, #tpu.memory_space<vmem>>)
      %run_scoped3A_124 = arith.constant 5 : i32
      "tpu.region"() ({
        %run_scoped3A_148 = tpu.sem_alloc : memref<!tpu.dma_semaphore, #tpu.memory_space<semaphore_mem>>
        %dma_start3A_149 = arith.constant 0 : i32
        %dma_start3A_150 = tpu.memref_slice %arg8[%run_scoped3A_124, %dma_start3A_149] : memref<8x128xi32, #tpu.memory_space<vmem>> -> memref<1x128xi32, #tpu.memory_space<vmem>>
        %dma_start3A_151 = tpu.memref_squeeze %dma_start3A_150 : memref<1x128xi32, #tpu.memory_space<vmem>> -> memref<128xi32, #tpu.memory_space<vmem>>
        %dma_start3A_152 = arith.constant 0 : i32
        %dma_start3A_153 = arith.constant 0 : i32
        %dma_start3A_154 = tpu.memref_slice %arg6[%dma_start3A_152, %dma_start3A_153] : memref<10240x128xf32, #tpu.memory_space<vmem_shared>> -> memref<10240x128xf32, #tpu.memory_space<vmem_shared>>
        tpu.enqueue_indirect_dma source(%arg10 : memref<128x128xf32, #tpu.memory_space<vmem>>) target(%dma_start3A_154 : memref<10240x128xf32, #tpu.memory_space<vmem_shared>>) offsets(%dma_start3A_151 : memref<128xi32, #tpu.memory_space<vmem>>) semaphore(%run_scoped3A_148 : memref<!tpu.dma_semaphore, #tpu.memory_space<semaphore_mem>>) {add = true}
        %dma_wait3A_155 = arith.constant 0 : i32
        %dma_wait3A_156 = tpu.memref_slice %arg8[%run_scoped3A_124, %dma_wait3A_155] : memref<8x128xi32, #tpu.memory_space<vmem>> -> memref<1x128xi32, #tpu.memory_space<vmem>>
        %dma_wait3A_157 = tpu.memref_squeeze %dma_wait3A_156 : memref<1x128xi32, #tpu.memory_space<vmem>> -> memref<128xi32, #tpu.memory_space<vmem>>
        %dma_wait3A_158 = arith.constant 0 : i32
        %dma_wait3A_159 = arith.constant 0 : i32
        %dma_wait3A_160 = tpu.memref_slice %arg6[%dma_wait3A_158, %dma_wait3A_159] : memref<10240x128xf32, #tpu.memory_space<vmem_shared>> -> memref<10240x128xf32, #tpu.memory_space<vmem_shared>>
        tpu.wait_indirect_dma semaphore(%run_scoped3A_148 : memref<!tpu.dma_semaphore, #tpu.memory_space<semaphore_mem>>) src(%arg10 : memref<128x128xf32, #tpu.memory_space<vmem>>) dst(%dma_wait3A_160 : memref<10240x128xf32, #tpu.memory_space<vmem_shared>>)
        tpu.yield
      }) : () -> ()
      %dma_start3A_125 = arith.constant 7 : i32
      %dma_start3A_126 = arith.constant 0 : i32
      %dma_start3A_127 = tpu.memref_slice %arg7[%dma_start3A_125, %dma_start3A_126] : memref<8x128xi32, #tpu.memory_space<vmem>> -> memref<1x128xi32, #tpu.memory_space<vmem>>
      %dma_start3A_128 = tpu.memref_squeeze %dma_start3A_127 : memref<1x128xi32, #tpu.memory_space<vmem>> -> memref<128xi32, #tpu.memory_space<vmem>>
      %dma_start3A_129 = arith.constant 0 : i32
      %dma_start3A_130 = arith.constant 0 : i32
      %dma_start3A_131 = tpu.memref_slice %arg2[%dma_start3A_129, %dma_start3A_130] : memref<20480x128xf32, #tpu.memory_space<hbm>> -> memref<20480x128xf32, #tpu.memory_space<hbm>>
      tpu.enqueue_indirect_dma source(%dma_start3A_131 : memref<20480x128xf32, #tpu.memory_space<hbm>>) target(%arg10 : memref<128x128xf32, #tpu.memory_space<vmem>>) offsets(%dma_start3A_128 : memref<128xi32, #tpu.memory_space<vmem>>) semaphore(%arg12 : memref<!tpu.dma_semaphore, #tpu.memory_space<semaphore_mem>>)
      %dma_wait3A_132 = arith.constant 6 : i32
      %dma_wait3A_133 = arith.constant 0 : i32
      %dma_wait3A_134 = tpu.memref_slice %arg7[%dma_wait3A_132, %dma_wait3A_133] : memref<8x128xi32, #tpu.memory_space<vmem>> -> memref<1x128xi32, #tpu.memory_space<vmem>>
      %dma_wait3A_135 = tpu.memref_squeeze %dma_wait3A_134 : memref<1x128xi32, #tpu.memory_space<vmem>> -> memref<128xi32, #tpu.memory_space<vmem>>
      %dma_wait3A_136 = arith.constant 0 : i32
      %dma_wait3A_137 = arith.constant 0 : i32
      %dma_wait3A_138 = tpu.memref_slice %arg2[%dma_wait3A_136, %dma_wait3A_137] : memref<20480x128xf32, #tpu.memory_space<hbm>> -> memref<20480x128xf32, #tpu.memory_space<hbm>>
      tpu.wait_indirect_dma semaphore(%arg11 : memref<!tpu.dma_semaphore, #tpu.memory_space<semaphore_mem>>) src(%dma_wait3A_138 : memref<20480x128xf32, #tpu.memory_space<hbm>>) dst(%arg9 : memref<128x128xf32, #tpu.memory_space<vmem>>)
      %run_scoped3A_139 = arith.constant 6 : i32
      "tpu.region"() ({
        %run_scoped3A_148 = tpu.sem_alloc : memref<!tpu.dma_semaphore, #tpu.memory_space<semaphore_mem>>
        %dma_start3A_149 = arith.constant 0 : i32
        %dma_start3A_150 = tpu.memref_slice %arg8[%run_scoped3A_139, %dma_start3A_149] : memref<8x128xi32, #tpu.memory_space<vmem>> -> memref<1x128xi32, #tpu.memory_space<vmem>>
        %dma_start3A_151 = tpu.memref_squeeze %dma_start3A_150 : memref<1x128xi32, #tpu.memory_space<vmem>> -> memref<128xi32, #tpu.memory_space<vmem>>
        %dma_start3A_152 = arith.constant 0 : i32
        %dma_start3A_153 = arith.constant 0 : i32
        %dma_start3A_154 = tpu.memref_slice %arg6[%dma_start3A_152, %dma_start3A_153] : memref<10240x128xf32, #tpu.memory_space<vmem_shared>> -> memref<10240x128xf32, #tpu.memory_space<vmem_shared>>
        tpu.enqueue_indirect_dma source(%arg9 : memref<128x128xf32, #tpu.memory_space<vmem>>) target(%dma_start3A_154 : memref<10240x128xf32, #tpu.memory_space<vmem_shared>>) offsets(%dma_start3A_151 : memref<128xi32, #tpu.memory_space<vmem>>) semaphore(%run_scoped3A_148 : memref<!tpu.dma_semaphore, #tpu.memory_space<semaphore_mem>>) {add = true}
        %dma_wait3A_155 = arith.constant 0 : i32
        %dma_wait3A_156 = tpu.memref_slice %arg8[%run_scoped3A_139, %dma_wait3A_155] : memref<8x128xi32, #tpu.memory_space<vmem>> -> memref<1x128xi32, #tpu.memory_space<vmem>>
        %dma_wait3A_157 = tpu.memref_squeeze %dma_wait3A_156 : memref<1x128xi32, #tpu.memory_space<vmem>> -> memref<128xi32, #tpu.memory_space<vmem>>
        %dma_wait3A_158 = arith.constant 0 : i32
        %dma_wait3A_159 = arith.constant 0 : i32
        %dma_wait3A_160 = tpu.memref_slice %arg6[%dma_wait3A_158, %dma_wait3A_159] : memref<10240x128xf32, #tpu.memory_space<vmem_shared>> -> memref<10240x128xf32, #tpu.memory_space<vmem_shared>>
        tpu.wait_indirect_dma semaphore(%run_scoped3A_148 : memref<!tpu.dma_semaphore, #tpu.memory_space<semaphore_mem>>) src(%arg9 : memref<128x128xf32, #tpu.memory_space<vmem>>) dst(%dma_wait3A_160 : memref<10240x128xf32, #tpu.memory_space<vmem_shared>>)
        tpu.yield
      }) : () -> ()
      %dma_wait3A_140 = arith.constant 7 : i32
      %dma_wait3A_141 = arith.constant 0 : i32
      %dma_wait3A_142 = tpu.memref_slice %arg7[%dma_wait3A_140, %dma_wait3A_141] : memref<8x128xi32, #tpu.memory_space<vmem>> -> memref<1x128xi32, #tpu.memory_space<vmem>>
      %dma_wait3A_143 = tpu.memref_squeeze %dma_wait3A_142 : memref<1x128xi32, #tpu.memory_space<vmem>> -> memref<128xi32, #tpu.memory_space<vmem>>
      %dma_wait3A_144 = arith.constant 0 : i32
      %dma_wait3A_145 = arith.constant 0 : i32
      %dma_wait3A_146 = tpu.memref_slice %arg2[%dma_wait3A_144, %dma_wait3A_145] : memref<20480x128xf32, #tpu.memory_space<hbm>> -> memref<20480x128xf32, #tpu.memory_space<hbm>>
      tpu.wait_indirect_dma semaphore(%arg12 : memref<!tpu.dma_semaphore, #tpu.memory_space<semaphore_mem>>) src(%dma_wait3A_146 : memref<20480x128xf32, #tpu.memory_space<hbm>>) dst(%arg10 : memref<128x128xf32, #tpu.memory_space<vmem>>)
      %run_scoped3A_147 = arith.constant 7 : i32
      "tpu.region"() ({
        %run_scoped3A_148 = tpu.sem_alloc : memref<!tpu.dma_semaphore, #tpu.memory_space<semaphore_mem>>
        %dma_start3A_149 = arith.constant 0 : i32
        %dma_start3A_150 = tpu.memref_slice %arg8[%run_scoped3A_147, %dma_start3A_149] : memref<8x128xi32, #tpu.memory_space<vmem>> -> memref<1x128xi32, #tpu.memory_space<vmem>>
        %dma_start3A_151 = tpu.memref_squeeze %dma_start3A_150 : memref<1x128xi32, #tpu.memory_space<vmem>> -> memref<128xi32, #tpu.memory_space<vmem>>
        %dma_start3A_152 = arith.constant 0 : i32
        %dma_start3A_153 = arith.constant 0 : i32
        %dma_start3A_154 = tpu.memref_slice %arg6[%dma_start3A_152, %dma_start3A_153] : memref<10240x128xf32, #tpu.memory_space<vmem_shared>> -> memref<10240x128xf32, #tpu.memory_space<vmem_shared>>
        tpu.enqueue_indirect_dma source(%arg10 : memref<128x128xf32, #tpu.memory_space<vmem>>) target(%dma_start3A_154 : memref<10240x128xf32, #tpu.memory_space<vmem_shared>>) offsets(%dma_start3A_151 : memref<128xi32, #tpu.memory_space<vmem>>) semaphore(%run_scoped3A_148 : memref<!tpu.dma_semaphore, #tpu.memory_space<semaphore_mem>>) {add = true}
        %dma_wait3A_155 = arith.constant 0 : i32
        %dma_wait3A_156 = tpu.memref_slice %arg8[%run_scoped3A_147, %dma_wait3A_155] : memref<8x128xi32, #tpu.memory_space<vmem>> -> memref<1x128xi32, #tpu.memory_space<vmem>>
        %dma_wait3A_157 = tpu.memref_squeeze %dma_wait3A_156 : memref<1x128xi32, #tpu.memory_space<vmem>> -> memref<128xi32, #tpu.memory_space<vmem>>
        %dma_wait3A_158 = arith.constant 0 : i32
        %dma_wait3A_159 = arith.constant 0 : i32
        %dma_wait3A_160 = tpu.memref_slice %arg6[%dma_wait3A_158, %dma_wait3A_159] : memref<10240x128xf32, #tpu.memory_space<vmem_shared>> -> memref<10240x128xf32, #tpu.memory_space<vmem_shared>>
        tpu.wait_indirect_dma semaphore(%run_scoped3A_148 : memref<!tpu.dma_semaphore, #tpu.memory_space<semaphore_mem>>) src(%arg10 : memref<128x128xf32, #tpu.memory_space<vmem>>) dst(%dma_wait3A_160 : memref<10240x128xf32, #tpu.memory_space<vmem_shared>>)
        tpu.yield
      }) : () -> ()
    }
    %scan3A_15 = arith.constant 10 : i32
    %barrier3A_16 = arith.constant 0 : index
    tpu.barrier barrier_id(%barrier3A_16)
    %mul3A_17 = arith.constant 640 : i32
    %mul3A_18 = arith.muli %arg1, %mul3A_17 : i32
    %mul3A_19 = arith.constant 10240 : i32
    %mul3A_20 = arith.muli %arg0, %mul3A_19 : i32
    %mul3A_21 = arith.constant 640 : i32
    %mul3A_22 = arith.muli %arg1, %mul3A_21 : i32
    %add3A_23 = arith.addi %mul3A_20, %mul3A_22 : i32
    "tpu.region"() ({
      %run_scoped3A = tpu.sem_alloc : memref<!tpu.dma_semaphore, #tpu.memory_space<semaphore_mem>>
      %dma_start3A = arith.constant 0 : i32
      %dma_start3A_24 = tpu.memref_slice %arg5[%add3A_23, %dma_start3A] : memref<20480x128xf32, #tpu.memory_space<hbm>> -> memref<640x128xf32, #tpu.memory_space<hbm>>
      %dma_start3A_25 = arith.constant 0 : i32
      %dma_start3A_26 = tpu.memref_slice %arg6[%mul3A_18, %dma_start3A_25] : memref<10240x128xf32, #tpu.memory_space<vmem_shared>> -> memref<640x128xf32, #tpu.memory_space<vmem_shared>>
      tpu.enqueue_dma source(%dma_start3A_26 : memref<640x128xf32, #tpu.memory_space<vmem_shared>>) target(%dma_start3A_24 : memref<640x128xf32, #tpu.memory_space<hbm>>) target_semaphore(%run_scoped3A : memref<!tpu.dma_semaphore, #tpu.memory_space<semaphore_mem>>)
      %dma_wait3A = arith.constant 0 : i32
      %dma_wait3A_27 = tpu.memref_slice %arg5[%add3A_23, %dma_wait3A] : memref<20480x128xf32, #tpu.memory_space<hbm>> -> memref<640x128xf32, #tpu.memory_space<hbm>>
      %dma_wait3A_28 = arith.constant 0 : i32
      %dma_wait3A_29 = tpu.memref_slice %arg6[%mul3A_18, %dma_wait3A_28] : memref<10240x128xf32, #tpu.memory_space<vmem_shared>> -> memref<640x128xf32, #tpu.memory_space<vmem_shared>>
      tpu.wait_dma2 semaphore(%run_scoped3A : memref<!tpu.dma_semaphore, #tpu.memory_space<semaphore_mem>>) src(%dma_wait3A_29 : memref<640x128xf32, #tpu.memory_space<vmem_shared>>) dst(%dma_wait3A_27 : memref<640x128xf32, #tpu.memory_space<hbm>>)
      tpu.yield
    }) : () -> ()
    return
  }
}

#map = affine_map<(d0, d1) -> (0, 0)>
module attributes {stable_mosaic.version = 14 : i64} {
  func.func @_deg_kernel(%arg0: i32, %arg1: i32, %arg2: memref<1280x128xi32, #tpu.memory_space<hbm>>, %arg3: memref<640x128xf32, #tpu.memory_space<hbm>>, %arg4: memref<128x128xf32, #tpu.memory_space<hbm>>, %arg5: memref<20480x128xf32, #tpu.memory_space<hbm>>, %arg6: memref<10240x128xf32, #tpu.memory_space<vmem_shared>>, %arg7: memref<4x128xi32, #tpu.memory_space<vmem>>, %arg8: memref<128x128xf32, #tpu.memory_space<vmem>>) attributes {dimension_semantics = [#tpu.dimension_semantics<core_parallel>, #tpu.dimension_semantics<subcore_parallel>], iteration_bounds = array<i64: 2, 16>, scalar_prefetch = 0 : i64, scratch_operands = 3 : i64, tpu.core_type = #tpu.core_type<sc_vector_subcore>, window_params = [{transform_indices = #map}, {transform_indices = #map}, {transform_indices = #map}, {transform_indices = #map}]} {
    %mul3A = arith.constant 16 : i32
    %mul3A_0 = arith.muli %arg0, %mul3A : i32
    %add3A = arith.addi %mul3A_0, %arg1 : i32
    %mul3A_1 = arith.constant 640 : i32
    %mul3A_2 = arith.muli %arg1, %mul3A_1 : i32
    "tpu.region"() ({
      %run_scoped3A = tpu.sem_alloc : memref<!tpu.dma_semaphore, #tpu.memory_space<semaphore_mem>>
      %dma_start3A = arith.constant 0 : i32
      %dma_start3A_17 = tpu.memref_slice %arg6[%mul3A_2, %dma_start3A] : memref<10240x128xf32, #tpu.memory_space<vmem_shared>> -> memref<640x128xf32, #tpu.memory_space<vmem_shared>>
      tpu.enqueue_dma source(%arg3 : memref<640x128xf32, #tpu.memory_space<hbm>>) target(%dma_start3A_17 : memref<640x128xf32, #tpu.memory_space<vmem_shared>>) target_semaphore(%run_scoped3A : memref<!tpu.dma_semaphore, #tpu.memory_space<semaphore_mem>>)
      %dma_wait3A = arith.constant 0 : i32
      %dma_wait3A_18 = tpu.memref_slice %arg6[%mul3A_2, %dma_wait3A] : memref<10240x128xf32, #tpu.memory_space<vmem_shared>> -> memref<640x128xf32, #tpu.memory_space<vmem_shared>>
      tpu.wait_dma2 semaphore(%run_scoped3A : memref<!tpu.dma_semaphore, #tpu.memory_space<semaphore_mem>>) src(%arg3 : memref<640x128xf32, #tpu.memory_space<hbm>>) dst(%dma_wait3A_18 : memref<640x128xf32, #tpu.memory_space<vmem_shared>>)
      tpu.yield
    }) : () -> ()
    "tpu.region"() ({
      %run_scoped3A = tpu.sem_alloc : memref<!tpu.dma_semaphore, #tpu.memory_space<semaphore_mem>>
      tpu.enqueue_dma source(%arg4 : memref<128x128xf32, #tpu.memory_space<hbm>>) target(%arg8 : memref<128x128xf32, #tpu.memory_space<vmem>>) target_semaphore(%run_scoped3A : memref<!tpu.dma_semaphore, #tpu.memory_space<semaphore_mem>>)
      tpu.wait_dma2 semaphore(%run_scoped3A : memref<!tpu.dma_semaphore, #tpu.memory_space<semaphore_mem>>) src(%arg4 : memref<128x128xf32, #tpu.memory_space<hbm>>) dst(%arg8 : memref<128x128xf32, #tpu.memory_space<vmem>>)
      tpu.yield
    }) : () -> ()
    %barrier3A = arith.constant 0 : index
    tpu.barrier barrier_id(%barrier3A)
    %mul3A_3 = arith.constant 40 : i32
    %mul3A_4 = arith.muli %add3A, %mul3A_3 : i32
    %scan3A = arith.constant 0 : i32
    %scan3A_5 = arith.constant 10 : i32
    %scan3A_6 = arith.addi %scan3A, %scan3A_5 : i32
    %scan3A_7 = arith.constant 1 : i32
    scf.for %scan3A_17 = %scan3A to %scan3A_6 step %scan3A_7  : i32 {
      %mul3A_18 = arith.constant 4 : i32
      %mul3A_19 = arith.muli %scan3A_17, %mul3A_18 : i32
      %add3A_20 = arith.constant 0 : i32
      %add3A_21 = arith.addi %add3A_20, %mul3A_19 : i32
      %add3A_22 = arith.addi %mul3A_4, %add3A_21 : i32
      "tpu.region"() ({
        %run_scoped3A_26 = tpu.sem_alloc : memref<!tpu.dma_semaphore, #tpu.memory_space<semaphore_mem>>
        %dma_start3A = arith.constant 0 : i32
        %dma_start3A_27 = tpu.memref_slice %arg2[%add3A_22, %dma_start3A] : memref<1280x128xi32, #tpu.memory_space<hbm>> -> memref<4x128xi32, #tpu.memory_space<hbm>>
        %dma_start3A_28 = arith.constant 0 : i32
        %dma_start3A_29 = tpu.memref_slice %arg2[%add3A_22, %dma_start3A_28] : memref<1280x128xi32, #tpu.memory_space<hbm>> -> memref<4x128xi32, #tpu.memory_space<hbm>>
        tpu.enqueue_dma source(%dma_start3A_29 : memref<4x128xi32, #tpu.memory_space<hbm>>) target(%arg7 : memref<4x128xi32, #tpu.memory_space<vmem>>) target_semaphore(%run_scoped3A_26 : memref<!tpu.dma_semaphore, #tpu.memory_space<semaphore_mem>>)
        %dma_wait3A = arith.constant 0 : i32
        %dma_wait3A_30 = tpu.memref_slice %arg2[%add3A_22, %dma_wait3A] : memref<1280x128xi32, #tpu.memory_space<hbm>> -> memref<4x128xi32, #tpu.memory_space<hbm>>
        %dma_wait3A_31 = arith.constant 0 : i32
        %dma_wait3A_32 = tpu.memref_slice %arg2[%add3A_22, %dma_wait3A_31] : memref<1280x128xi32, #tpu.memory_space<hbm>> -> memref<4x128xi32, #tpu.memory_space<hbm>>
        tpu.wait_dma2 semaphore(%run_scoped3A_26 : memref<!tpu.dma_semaphore, #tpu.memory_space<semaphore_mem>>) src(%dma_wait3A_32 : memref<4x128xi32, #tpu.memory_space<hbm>>) dst(%arg7 : memref<4x128xi32, #tpu.memory_space<vmem>>)
        tpu.yield
      }) : () -> ()
      %run_scoped3A = arith.constant 0 : i32
      "tpu.region"() ({
        %run_scoped3A_26 = tpu.sem_alloc : memref<!tpu.dma_semaphore, #tpu.memory_space<semaphore_mem>>
        %dma_start3A = arith.constant 0 : i32
        %dma_start3A_27 = tpu.memref_slice %arg7[%run_scoped3A, %dma_start3A] : memref<4x128xi32, #tpu.memory_space<vmem>> -> memref<1x128xi32, #tpu.memory_space<vmem>>
        %dma_start3A_28 = tpu.memref_squeeze %dma_start3A_27 : memref<1x128xi32, #tpu.memory_space<vmem>> -> memref<128xi32, #tpu.memory_space<vmem>>
        %dma_start3A_29 = arith.constant 0 : i32
        %dma_start3A_30 = arith.constant 0 : i32
        %dma_start3A_31 = tpu.memref_slice %arg6[%dma_start3A_29, %dma_start3A_30] : memref<10240x128xf32, #tpu.memory_space<vmem_shared>> -> memref<10240x128xf32, #tpu.memory_space<vmem_shared>>
        tpu.enqueue_indirect_dma source(%arg8 : memref<128x128xf32, #tpu.memory_space<vmem>>) target(%dma_start3A_31 : memref<10240x128xf32, #tpu.memory_space<vmem_shared>>) offsets(%dma_start3A_28 : memref<128xi32, #tpu.memory_space<vmem>>) semaphore(%run_scoped3A_26 : memref<!tpu.dma_semaphore, #tpu.memory_space<semaphore_mem>>) {add = true}
        %dma_wait3A = arith.constant 0 : i32
        %dma_wait3A_32 = tpu.memref_slice %arg7[%run_scoped3A, %dma_wait3A] : memref<4x128xi32, #tpu.memory_space<vmem>> -> memref<1x128xi32, #tpu.memory_space<vmem>>
        %dma_wait3A_33 = tpu.memref_squeeze %dma_wait3A_32 : memref<1x128xi32, #tpu.memory_space<vmem>> -> memref<128xi32, #tpu.memory_space<vmem>>
        %dma_wait3A_34 = arith.constant 0 : i32
        %dma_wait3A_35 = arith.constant 0 : i32
        %dma_wait3A_36 = tpu.memref_slice %arg6[%dma_wait3A_34, %dma_wait3A_35] : memref<10240x128xf32, #tpu.memory_space<vmem_shared>> -> memref<10240x128xf32, #tpu.memory_space<vmem_shared>>
        tpu.wait_indirect_dma semaphore(%run_scoped3A_26 : memref<!tpu.dma_semaphore, #tpu.memory_space<semaphore_mem>>) src(%arg8 : memref<128x128xf32, #tpu.memory_space<vmem>>) dst(%dma_wait3A_36 : memref<10240x128xf32, #tpu.memory_space<vmem_shared>>)
        tpu.yield
      }) : () -> ()
      %run_scoped3A_23 = arith.constant 1 : i32
      "tpu.region"() ({
        %run_scoped3A_26 = tpu.sem_alloc : memref<!tpu.dma_semaphore, #tpu.memory_space<semaphore_mem>>
        %dma_start3A = arith.constant 0 : i32
        %dma_start3A_27 = tpu.memref_slice %arg7[%run_scoped3A_23, %dma_start3A] : memref<4x128xi32, #tpu.memory_space<vmem>> -> memref<1x128xi32, #tpu.memory_space<vmem>>
        %dma_start3A_28 = tpu.memref_squeeze %dma_start3A_27 : memref<1x128xi32, #tpu.memory_space<vmem>> -> memref<128xi32, #tpu.memory_space<vmem>>
        %dma_start3A_29 = arith.constant 0 : i32
        %dma_start3A_30 = arith.constant 0 : i32
        %dma_start3A_31 = tpu.memref_slice %arg6[%dma_start3A_29, %dma_start3A_30] : memref<10240x128xf32, #tpu.memory_space<vmem_shared>> -> memref<10240x128xf32, #tpu.memory_space<vmem_shared>>
        tpu.enqueue_indirect_dma source(%arg8 : memref<128x128xf32, #tpu.memory_space<vmem>>) target(%dma_start3A_31 : memref<10240x128xf32, #tpu.memory_space<vmem_shared>>) offsets(%dma_start3A_28 : memref<128xi32, #tpu.memory_space<vmem>>) semaphore(%run_scoped3A_26 : memref<!tpu.dma_semaphore, #tpu.memory_space<semaphore_mem>>) {add = true}
        %dma_wait3A = arith.constant 0 : i32
        %dma_wait3A_32 = tpu.memref_slice %arg7[%run_scoped3A_23, %dma_wait3A] : memref<4x128xi32, #tpu.memory_space<vmem>> -> memref<1x128xi32, #tpu.memory_space<vmem>>
        %dma_wait3A_33 = tpu.memref_squeeze %dma_wait3A_32 : memref<1x128xi32, #tpu.memory_space<vmem>> -> memref<128xi32, #tpu.memory_space<vmem>>
        %dma_wait3A_34 = arith.constant 0 : i32
        %dma_wait3A_35 = arith.constant 0 : i32
        %dma_wait3A_36 = tpu.memref_slice %arg6[%dma_wait3A_34, %dma_wait3A_35] : memref<10240x128xf32, #tpu.memory_space<vmem_shared>> -> memref<10240x128xf32, #tpu.memory_space<vmem_shared>>
        tpu.wait_indirect_dma semaphore(%run_scoped3A_26 : memref<!tpu.dma_semaphore, #tpu.memory_space<semaphore_mem>>) src(%arg8 : memref<128x128xf32, #tpu.memory_space<vmem>>) dst(%dma_wait3A_36 : memref<10240x128xf32, #tpu.memory_space<vmem_shared>>)
        tpu.yield
      }) : () -> ()
      %run_scoped3A_24 = arith.constant 2 : i32
      "tpu.region"() ({
        %run_scoped3A_26 = tpu.sem_alloc : memref<!tpu.dma_semaphore, #tpu.memory_space<semaphore_mem>>
        %dma_start3A = arith.constant 0 : i32
        %dma_start3A_27 = tpu.memref_slice %arg7[%run_scoped3A_24, %dma_start3A] : memref<4x128xi32, #tpu.memory_space<vmem>> -> memref<1x128xi32, #tpu.memory_space<vmem>>
        %dma_start3A_28 = tpu.memref_squeeze %dma_start3A_27 : memref<1x128xi32, #tpu.memory_space<vmem>> -> memref<128xi32, #tpu.memory_space<vmem>>
        %dma_start3A_29 = arith.constant 0 : i32
        %dma_start3A_30 = arith.constant 0 : i32
        %dma_start3A_31 = tpu.memref_slice %arg6[%dma_start3A_29, %dma_start3A_30] : memref<10240x128xf32, #tpu.memory_space<vmem_shared>> -> memref<10240x128xf32, #tpu.memory_space<vmem_shared>>
        tpu.enqueue_indirect_dma source(%arg8 : memref<128x128xf32, #tpu.memory_space<vmem>>) target(%dma_start3A_31 : memref<10240x128xf32, #tpu.memory_space<vmem_shared>>) offsets(%dma_start3A_28 : memref<128xi32, #tpu.memory_space<vmem>>) semaphore(%run_scoped3A_26 : memref<!tpu.dma_semaphore, #tpu.memory_space<semaphore_mem>>) {add = true}
        %dma_wait3A = arith.constant 0 : i32
        %dma_wait3A_32 = tpu.memref_slice %arg7[%run_scoped3A_24, %dma_wait3A] : memref<4x128xi32, #tpu.memory_space<vmem>> -> memref<1x128xi32, #tpu.memory_space<vmem>>
        %dma_wait3A_33 = tpu.memref_squeeze %dma_wait3A_32 : memref<1x128xi32, #tpu.memory_space<vmem>> -> memref<128xi32, #tpu.memory_space<vmem>>
        %dma_wait3A_34 = arith.constant 0 : i32
        %dma_wait3A_35 = arith.constant 0 : i32
        %dma_wait3A_36 = tpu.memref_slice %arg6[%dma_wait3A_34, %dma_wait3A_35] : memref<10240x128xf32, #tpu.memory_space<vmem_shared>> -> memref<10240x128xf32, #tpu.memory_space<vmem_shared>>
        tpu.wait_indirect_dma semaphore(%run_scoped3A_26 : memref<!tpu.dma_semaphore, #tpu.memory_space<semaphore_mem>>) src(%arg8 : memref<128x128xf32, #tpu.memory_space<vmem>>) dst(%dma_wait3A_36 : memref<10240x128xf32, #tpu.memory_space<vmem_shared>>)
        tpu.yield
      }) : () -> ()
      %run_scoped3A_25 = arith.constant 3 : i32
      "tpu.region"() ({
        %run_scoped3A_26 = tpu.sem_alloc : memref<!tpu.dma_semaphore, #tpu.memory_space<semaphore_mem>>
        %dma_start3A = arith.constant 0 : i32
        %dma_start3A_27 = tpu.memref_slice %arg7[%run_scoped3A_25, %dma_start3A] : memref<4x128xi32, #tpu.memory_space<vmem>> -> memref<1x128xi32, #tpu.memory_space<vmem>>
        %dma_start3A_28 = tpu.memref_squeeze %dma_start3A_27 : memref<1x128xi32, #tpu.memory_space<vmem>> -> memref<128xi32, #tpu.memory_space<vmem>>
        %dma_start3A_29 = arith.constant 0 : i32
        %dma_start3A_30 = arith.constant 0 : i32
        %dma_start3A_31 = tpu.memref_slice %arg6[%dma_start3A_29, %dma_start3A_30] : memref<10240x128xf32, #tpu.memory_space<vmem_shared>> -> memref<10240x128xf32, #tpu.memory_space<vmem_shared>>
        tpu.enqueue_indirect_dma source(%arg8 : memref<128x128xf32, #tpu.memory_space<vmem>>) target(%dma_start3A_31 : memref<10240x128xf32, #tpu.memory_space<vmem_shared>>) offsets(%dma_start3A_28 : memref<128xi32, #tpu.memory_space<vmem>>) semaphore(%run_scoped3A_26 : memref<!tpu.dma_semaphore, #tpu.memory_space<semaphore_mem>>) {add = true}
        %dma_wait3A = arith.constant 0 : i32
        %dma_wait3A_32 = tpu.memref_slice %arg7[%run_scoped3A_25, %dma_wait3A] : memref<4x128xi32, #tpu.memory_space<vmem>> -> memref<1x128xi32, #tpu.memory_space<vmem>>
        %dma_wait3A_33 = tpu.memref_squeeze %dma_wait3A_32 : memref<1x128xi32, #tpu.memory_space<vmem>> -> memref<128xi32, #tpu.memory_space<vmem>>
        %dma_wait3A_34 = arith.constant 0 : i32
        %dma_wait3A_35 = arith.constant 0 : i32
        %dma_wait3A_36 = tpu.memref_slice %arg6[%dma_wait3A_34, %dma_wait3A_35] : memref<10240x128xf32, #tpu.memory_space<vmem_shared>> -> memref<10240x128xf32, #tpu.memory_space<vmem_shared>>
        tpu.wait_indirect_dma semaphore(%run_scoped3A_26 : memref<!tpu.dma_semaphore, #tpu.memory_space<semaphore_mem>>) src(%arg8 : memref<128x128xf32, #tpu.memory_space<vmem>>) dst(%dma_wait3A_36 : memref<10240x128xf32, #tpu.memory_space<vmem_shared>>)
        tpu.yield
      }) : () -> ()
    }
    %scan3A_8 = arith.constant 10 : i32
    %barrier3A_9 = arith.constant 0 : index
    tpu.barrier barrier_id(%barrier3A_9)
    %mul3A_10 = arith.constant 640 : i32
    %mul3A_11 = arith.muli %arg1, %mul3A_10 : i32
    %mul3A_12 = arith.constant 10240 : i32
    %mul3A_13 = arith.muli %arg0, %mul3A_12 : i32
    %mul3A_14 = arith.constant 640 : i32
    %mul3A_15 = arith.muli %arg1, %mul3A_14 : i32
    %add3A_16 = arith.addi %mul3A_13, %mul3A_15 : i32
    "tpu.region"() ({
      %run_scoped3A = tpu.sem_alloc : memref<!tpu.dma_semaphore, #tpu.memory_space<semaphore_mem>>
      %dma_start3A = arith.constant 0 : i32
      %dma_start3A_17 = tpu.memref_slice %arg5[%add3A_16, %dma_start3A] : memref<20480x128xf32, #tpu.memory_space<hbm>> -> memref<640x128xf32, #tpu.memory_space<hbm>>
      %dma_start3A_18 = arith.constant 0 : i32
      %dma_start3A_19 = tpu.memref_slice %arg6[%mul3A_11, %dma_start3A_18] : memref<10240x128xf32, #tpu.memory_space<vmem_shared>> -> memref<640x128xf32, #tpu.memory_space<vmem_shared>>
      tpu.enqueue_dma source(%dma_start3A_19 : memref<640x128xf32, #tpu.memory_space<vmem_shared>>) target(%dma_start3A_17 : memref<640x128xf32, #tpu.memory_space<hbm>>) target_semaphore(%run_scoped3A : memref<!tpu.dma_semaphore, #tpu.memory_space<semaphore_mem>>)
      %dma_wait3A = arith.constant 0 : i32
      %dma_wait3A_20 = tpu.memref_slice %arg5[%add3A_16, %dma_wait3A] : memref<20480x128xf32, #tpu.memory_space<hbm>> -> memref<640x128xf32, #tpu.memory_space<hbm>>
      %dma_wait3A_21 = arith.constant 0 : i32
      %dma_wait3A_22 = tpu.memref_slice %arg6[%mul3A_11, %dma_wait3A_21] : memref<10240x128xf32, #tpu.memory_space<vmem_shared>> -> memref<640x128xf32, #tpu.memory_space<vmem_shared>>
      tpu.wait_dma2 semaphore(%run_scoped3A : memref<!tpu.dma_semaphore, #tpu.memory_space<semaphore_mem>>) src(%dma_wait3A_22 : memref<640x128xf32, #tpu.memory_space<vmem_shared>>) dst(%dma_wait3A_20 : memref<640x128xf32, #tpu.memory_space<hbm>>)
      tpu.yield
    }) : () -> ()
    return
  }
}

#map = affine_map<(d0, d1) -> (0, 0)>
module attributes {stable_mosaic.version = 14 : i64} {
  func.func @_prop_kernel(%arg0: i32, %arg1: i32, %arg2: memref<20480x128xf32, #tpu.memory_space<hbm>>, %arg3: memref<2560x128xi32, #tpu.memory_space<hbm>>, %arg4: memref<1280x128xi32, #tpu.memory_space<hbm>>, %arg5: memref<20480x128xf32, #tpu.memory_space<hbm>>, %arg6: memref<10240x128xf32, #tpu.memory_space<vmem_shared>>, %arg7: memref<8x128xi32, #tpu.memory_space<vmem>>, %arg8: memref<8x128xi32, #tpu.memory_space<vmem>>, %arg9: memref<128x128xf32, #tpu.memory_space<vmem>>, %arg10: memref<128x128xf32, #tpu.memory_space<vmem>>, %arg11: memref<!tpu.dma_semaphore, #tpu.memory_space<semaphore_mem>>, %arg12: memref<!tpu.dma_semaphore, #tpu.memory_space<semaphore_mem>>) attributes {dimension_semantics = [#tpu.dimension_semantics<core_parallel>, #tpu.dimension_semantics<subcore_parallel>], iteration_bounds = array<i64: 2, 16>, scalar_prefetch = 0 : i64, scratch_operands = 7 : i64, tpu.core_type = #tpu.core_type<sc_vector_subcore>, window_params = [{transform_indices = #map}, {transform_indices = #map}, {transform_indices = #map}, {transform_indices = #map}]} {
    %mul3A = arith.constant 10240 : i32
    %mul3A_0 = arith.muli %arg0, %mul3A : i32
    %mul3A_1 = arith.constant 640 : i32
    %mul3A_2 = arith.muli %arg1, %mul3A_1 : i32
    %add3A = arith.addi %mul3A_0, %mul3A_2 : i32
    %mul3A_3 = arith.constant 640 : i32
    %mul3A_4 = arith.muli %arg1, %mul3A_3 : i32
    "tpu.region"() ({
      %run_scoped3A = tpu.sem_alloc : memref<!tpu.dma_semaphore, #tpu.memory_space<semaphore_mem>>
      %dma_start3A = arith.constant 0 : i32
      %dma_start3A_24 = tpu.memref_slice %arg6[%mul3A_4, %dma_start3A] : memref<10240x128xf32, #tpu.memory_space<vmem_shared>> -> memref<640x128xf32, #tpu.memory_space<vmem_shared>>
      %dma_start3A_25 = arith.constant 0 : i32
      %dma_start3A_26 = tpu.memref_slice %arg2[%add3A, %dma_start3A_25] : memref<20480x128xf32, #tpu.memory_space<hbm>> -> memref<640x128xf32, #tpu.memory_space<hbm>>
      tpu.enqueue_dma source(%dma_start3A_26 : memref<640x128xf32, #tpu.memory_space<hbm>>) target(%dma_start3A_24 : memref<640x128xf32, #tpu.memory_space<vmem_shared>>) target_semaphore(%run_scoped3A : memref<!tpu.dma_semaphore, #tpu.memory_space<semaphore_mem>>)
      %dma_wait3A = arith.constant 0 : i32
      %dma_wait3A_27 = tpu.memref_slice %arg6[%mul3A_4, %dma_wait3A] : memref<10240x128xf32, #tpu.memory_space<vmem_shared>> -> memref<640x128xf32, #tpu.memory_space<vmem_shared>>
      %dma_wait3A_28 = arith.constant 0 : i32
      %dma_wait3A_29 = tpu.memref_slice %arg2[%add3A, %dma_wait3A_28] : memref<20480x128xf32, #tpu.memory_space<hbm>> -> memref<640x128xf32, #tpu.memory_space<hbm>>
      tpu.wait_dma2 semaphore(%run_scoped3A : memref<!tpu.dma_semaphore, #tpu.memory_space<semaphore_mem>>) src(%dma_wait3A_29 : memref<640x128xf32, #tpu.memory_space<hbm>>) dst(%dma_wait3A_27 : memref<640x128xf32, #tpu.memory_space<vmem_shared>>)
      tpu.yield
    }) : () -> ()
    %barrier3A = arith.constant 0 : index
    tpu.barrier barrier_id(%barrier3A)
    %mul3A_5 = arith.constant 16 : i32
    %mul3A_6 = arith.muli %arg0, %mul3A_5 : i32
    %add3A_7 = arith.addi %mul3A_6, %arg1 : i32
    %mul3A_8 = arith.constant 80 : i32
    %mul3A_9 = arith.muli %add3A_7, %mul3A_8 : i32
    %mul3A_10 = arith.constant 80 : i32
    %mul3A_11 = arith.muli %arg1, %mul3A_10 : i32
    %scan3A = arith.constant 0 : i32
    %scan3A_12 = arith.constant 10 : i32
    %scan3A_13 = arith.addi %scan3A, %scan3A_12 : i32
    %scan3A_14 = arith.constant 1 : i32
    scf.for %scan3A_24 = %scan3A to %scan3A_13 step %scan3A_14  : i32 {
      %mul3A_25 = arith.constant 8 : i32
      %mul3A_26 = arith.muli %scan3A_24, %mul3A_25 : i32
      %add3A_27 = arith.constant 0 : i32
      %add3A_28 = arith.addi %add3A_27, %mul3A_26 : i32
      %add3A_29 = arith.addi %mul3A_9, %add3A_28 : i32
      "tpu.region"() ({
        %run_scoped3A_148 = tpu.sem_alloc : memref<!tpu.dma_semaphore, #tpu.memory_space<semaphore_mem>>
        %dma_start3A_149 = arith.constant 0 : i32
        %dma_start3A_150 = tpu.memref_slice %arg3[%add3A_29, %dma_start3A_149] : memref<2560x128xi32, #tpu.memory_space<hbm>> -> memref<8x128xi32, #tpu.memory_space<hbm>>
        %dma_start3A_151 = arith.constant 0 : i32
        %dma_start3A_152 = tpu.memref_slice %arg3[%add3A_29, %dma_start3A_151] : memref<2560x128xi32, #tpu.memory_space<hbm>> -> memref<8x128xi32, #tpu.memory_space<hbm>>
        tpu.enqueue_dma source(%dma_start3A_152 : memref<8x128xi32, #tpu.memory_space<hbm>>) target(%arg7 : memref<8x128xi32, #tpu.memory_space<vmem>>) target_semaphore(%run_scoped3A_148 : memref<!tpu.dma_semaphore, #tpu.memory_space<semaphore_mem>>)
        %dma_wait3A_153 = arith.constant 0 : i32
        %dma_wait3A_154 = tpu.memref_slice %arg3[%add3A_29, %dma_wait3A_153] : memref<2560x128xi32, #tpu.memory_space<hbm>> -> memref<8x128xi32, #tpu.memory_space<hbm>>
        %dma_wait3A_155 = arith.constant 0 : i32
        %dma_wait3A_156 = tpu.memref_slice %arg3[%add3A_29, %dma_wait3A_155] : memref<2560x128xi32, #tpu.memory_space<hbm>> -> memref<8x128xi32, #tpu.memory_space<hbm>>
        tpu.wait_dma2 semaphore(%run_scoped3A_148 : memref<!tpu.dma_semaphore, #tpu.memory_space<semaphore_mem>>) src(%dma_wait3A_156 : memref<8x128xi32, #tpu.memory_space<hbm>>) dst(%arg7 : memref<8x128xi32, #tpu.memory_space<vmem>>)
        tpu.yield
      }) : () -> ()
      %add3A_30 = arith.addi %mul3A_11, %add3A_28 : i32
      "tpu.region"() ({
        %run_scoped3A_148 = tpu.sem_alloc : memref<!tpu.dma_semaphore, #tpu.memory_space<semaphore_mem>>
        %dma_start3A_149 = arith.constant 0 : i32
        %dma_start3A_150 = tpu.memref_slice %arg4[%add3A_30, %dma_start3A_149] : memref<1280x128xi32, #tpu.memory_space<hbm>> -> memref<8x128xi32, #tpu.memory_space<hbm>>
        %dma_start3A_151 = arith.constant 0 : i32
        %dma_start3A_152 = tpu.memref_slice %arg4[%add3A_30, %dma_start3A_151] : memref<1280x128xi32, #tpu.memory_space<hbm>> -> memref<8x128xi32, #tpu.memory_space<hbm>>
        tpu.enqueue_dma source(%dma_start3A_152 : memref<8x128xi32, #tpu.memory_space<hbm>>) target(%arg8 : memref<8x128xi32, #tpu.memory_space<vmem>>) target_semaphore(%run_scoped3A_148 : memref<!tpu.dma_semaphore, #tpu.memory_space<semaphore_mem>>)
        %dma_wait3A_153 = arith.constant 0 : i32
        %dma_wait3A_154 = tpu.memref_slice %arg4[%add3A_30, %dma_wait3A_153] : memref<1280x128xi32, #tpu.memory_space<hbm>> -> memref<8x128xi32, #tpu.memory_space<hbm>>
        %dma_wait3A_155 = arith.constant 0 : i32
        %dma_wait3A_156 = tpu.memref_slice %arg4[%add3A_30, %dma_wait3A_155] : memref<1280x128xi32, #tpu.memory_space<hbm>> -> memref<8x128xi32, #tpu.memory_space<hbm>>
        tpu.wait_dma2 semaphore(%run_scoped3A_148 : memref<!tpu.dma_semaphore, #tpu.memory_space<semaphore_mem>>) src(%dma_wait3A_156 : memref<8x128xi32, #tpu.memory_space<hbm>>) dst(%arg8 : memref<8x128xi32, #tpu.memory_space<vmem>>)
        tpu.yield
      }) : () -> ()
      %dma_start3A = arith.constant 0 : i32
      %dma_start3A_31 = arith.constant 0 : i32
      %dma_start3A_32 = tpu.memref_slice %arg7[%dma_start3A, %dma_start3A_31] : memref<8x128xi32, #tpu.memory_space<vmem>> -> memref<1x128xi32, #tpu.memory_space<vmem>>
      %dma_start3A_33 = tpu.memref_squeeze %dma_start3A_32 : memref<1x128xi32, #tpu.memory_space<vmem>> -> memref<128xi32, #tpu.memory_space<vmem>>
      %dma_start3A_34 = arith.constant 0 : i32
      %dma_start3A_35 = arith.constant 0 : i32
      %dma_start3A_36 = tpu.memref_slice %arg2[%dma_start3A_34, %dma_start3A_35] : memref<20480x128xf32, #tpu.memory_space<hbm>> -> memref<20480x128xf32, #tpu.memory_space<hbm>>
      tpu.enqueue_indirect_dma source(%dma_start3A_36 : memref<20480x128xf32, #tpu.memory_space<hbm>>) target(%arg9 : memref<128x128xf32, #tpu.memory_space<vmem>>) offsets(%dma_start3A_33 : memref<128xi32, #tpu.memory_space<vmem>>) semaphore(%arg11 : memref<!tpu.dma_semaphore, #tpu.memory_space<semaphore_mem>>)
      %dma_start3A_37 = arith.constant 1 : i32
      %dma_start3A_38 = arith.constant 0 : i32
      %dma_start3A_39 = tpu.memref_slice %arg7[%dma_start3A_37, %dma_start3A_38] : memref<8x128xi32, #tpu.memory_space<vmem>> -> memref<1x128xi32, #tpu.memory_space<vmem>>
      %dma_start3A_40 = tpu.memref_squeeze %dma_start3A_39 : memref<1x128xi32, #tpu.memory_space<vmem>> -> memref<128xi32, #tpu.memory_space<vmem>>
      %dma_start3A_41 = arith.constant 0 : i32
      %dma_start3A_42 = arith.constant 0 : i32
      %dma_start3A_43 = tpu.memref_slice %arg2[%dma_start3A_41, %dma_start3A_42] : memref<20480x128xf32, #tpu.memory_space<hbm>> -> memref<20480x128xf32, #tpu.memory_space<hbm>>
      tpu.enqueue_indirect_dma source(%dma_start3A_43 : memref<20480x128xf32, #tpu.memory_space<hbm>>) target(%arg10 : memref<128x128xf32, #tpu.memory_space<vmem>>) offsets(%dma_start3A_40 : memref<128xi32, #tpu.memory_space<vmem>>) semaphore(%arg12 : memref<!tpu.dma_semaphore, #tpu.memory_space<semaphore_mem>>)
      %dma_wait3A = arith.constant 0 : i32
      %dma_wait3A_44 = arith.constant 0 : i32
      %dma_wait3A_45 = tpu.memref_slice %arg7[%dma_wait3A, %dma_wait3A_44] : memref<8x128xi32, #tpu.memory_space<vmem>> -> memref<1x128xi32, #tpu.memory_space<vmem>>
      %dma_wait3A_46 = tpu.memref_squeeze %dma_wait3A_45 : memref<1x128xi32, #tpu.memory_space<vmem>> -> memref<128xi32, #tpu.memory_space<vmem>>
      %dma_wait3A_47 = arith.constant 0 : i32
      %dma_wait3A_48 = arith.constant 0 : i32
      %dma_wait3A_49 = tpu.memref_slice %arg2[%dma_wait3A_47, %dma_wait3A_48] : memref<20480x128xf32, #tpu.memory_space<hbm>> -> memref<20480x128xf32, #tpu.memory_space<hbm>>
      tpu.wait_indirect_dma semaphore(%arg11 : memref<!tpu.dma_semaphore, #tpu.memory_space<semaphore_mem>>) src(%dma_wait3A_49 : memref<20480x128xf32, #tpu.memory_space<hbm>>) dst(%arg9 : memref<128x128xf32, #tpu.memory_space<vmem>>)
      %run_scoped3A = arith.constant 0 : i32
      "tpu.region"() ({
        %run_scoped3A_148 = tpu.sem_alloc : memref<!tpu.dma_semaphore, #tpu.memory_space<semaphore_mem>>
        %dma_start3A_149 = arith.constant 0 : i32
        %dma_start3A_150 = tpu.memref_slice %arg8[%run_scoped3A, %dma_start3A_149] : memref<8x128xi32, #tpu.memory_space<vmem>> -> memref<1x128xi32, #tpu.memory_space<vmem>>
        %dma_start3A_151 = tpu.memref_squeeze %dma_start3A_150 : memref<1x128xi32, #tpu.memory_space<vmem>> -> memref<128xi32, #tpu.memory_space<vmem>>
        %dma_start3A_152 = arith.constant 0 : i32
        %dma_start3A_153 = arith.constant 0 : i32
        %dma_start3A_154 = tpu.memref_slice %arg6[%dma_start3A_152, %dma_start3A_153] : memref<10240x128xf32, #tpu.memory_space<vmem_shared>> -> memref<10240x128xf32, #tpu.memory_space<vmem_shared>>
        tpu.enqueue_indirect_dma source(%arg9 : memref<128x128xf32, #tpu.memory_space<vmem>>) target(%dma_start3A_154 : memref<10240x128xf32, #tpu.memory_space<vmem_shared>>) offsets(%dma_start3A_151 : memref<128xi32, #tpu.memory_space<vmem>>) semaphore(%run_scoped3A_148 : memref<!tpu.dma_semaphore, #tpu.memory_space<semaphore_mem>>) {add = true}
        %dma_wait3A_155 = arith.constant 0 : i32
        %dma_wait3A_156 = tpu.memref_slice %arg8[%run_scoped3A, %dma_wait3A_155] : memref<8x128xi32, #tpu.memory_space<vmem>> -> memref<1x128xi32, #tpu.memory_space<vmem>>
        %dma_wait3A_157 = tpu.memref_squeeze %dma_wait3A_156 : memref<1x128xi32, #tpu.memory_space<vmem>> -> memref<128xi32, #tpu.memory_space<vmem>>
        %dma_wait3A_158 = arith.constant 0 : i32
        %dma_wait3A_159 = arith.constant 0 : i32
        %dma_wait3A_160 = tpu.memref_slice %arg6[%dma_wait3A_158, %dma_wait3A_159] : memref<10240x128xf32, #tpu.memory_space<vmem_shared>> -> memref<10240x128xf32, #tpu.memory_space<vmem_shared>>
        tpu.wait_indirect_dma semaphore(%run_scoped3A_148 : memref<!tpu.dma_semaphore, #tpu.memory_space<semaphore_mem>>) src(%arg9 : memref<128x128xf32, #tpu.memory_space<vmem>>) dst(%dma_wait3A_160 : memref<10240x128xf32, #tpu.memory_space<vmem_shared>>)
        tpu.yield
      }) : () -> ()
      %dma_start3A_50 = arith.constant 2 : i32
      %dma_start3A_51 = arith.constant 0 : i32
      %dma_start3A_52 = tpu.memref_slice %arg7[%dma_start3A_50, %dma_start3A_51] : memref<8x128xi32, #tpu.memory_space<vmem>> -> memref<1x128xi32, #tpu.memory_space<vmem>>
      %dma_start3A_53 = tpu.memref_squeeze %dma_start3A_52 : memref<1x128xi32, #tpu.memory_space<vmem>> -> memref<128xi32, #tpu.memory_space<vmem>>
      %dma_start3A_54 = arith.constant 0 : i32
      %dma_start3A_55 = arith.constant 0 : i32
      %dma_start3A_56 = tpu.memref_slice %arg2[%dma_start3A_54, %dma_start3A_55] : memref<20480x128xf32, #tpu.memory_space<hbm>> -> memref<20480x128xf32, #tpu.memory_space<hbm>>
      tpu.enqueue_indirect_dma source(%dma_start3A_56 : memref<20480x128xf32, #tpu.memory_space<hbm>>) target(%arg9 : memref<128x128xf32, #tpu.memory_space<vmem>>) offsets(%dma_start3A_53 : memref<128xi32, #tpu.memory_space<vmem>>) semaphore(%arg11 : memref<!tpu.dma_semaphore, #tpu.memory_space<semaphore_mem>>)
      %dma_wait3A_57 = arith.constant 1 : i32
      %dma_wait3A_58 = arith.constant 0 : i32
      %dma_wait3A_59 = tpu.memref_slice %arg7[%dma_wait3A_57, %dma_wait3A_58] : memref<8x128xi32, #tpu.memory_space<vmem>> -> memref<1x128xi32, #tpu.memory_space<vmem>>
      %dma_wait3A_60 = tpu.memref_squeeze %dma_wait3A_59 : memref<1x128xi32, #tpu.memory_space<vmem>> -> memref<128xi32, #tpu.memory_space<vmem>>
      %dma_wait3A_61 = arith.constant 0 : i32
      %dma_wait3A_62 = arith.constant 0 : i32
      %dma_wait3A_63 = tpu.memref_slice %arg2[%dma_wait3A_61, %dma_wait3A_62] : memref<20480x128xf32, #tpu.memory_space<hbm>> -> memref<20480x128xf32, #tpu.memory_space<hbm>>
      tpu.wait_indirect_dma semaphore(%arg12 : memref<!tpu.dma_semaphore, #tpu.memory_space<semaphore_mem>>) src(%dma_wait3A_63 : memref<20480x128xf32, #tpu.memory_space<hbm>>) dst(%arg10 : memref<128x128xf32, #tpu.memory_space<vmem>>)
      %run_scoped3A_64 = arith.constant 1 : i32
      "tpu.region"() ({
        %run_scoped3A_148 = tpu.sem_alloc : memref<!tpu.dma_semaphore, #tpu.memory_space<semaphore_mem>>
        %dma_start3A_149 = arith.constant 0 : i32
        %dma_start3A_150 = tpu.memref_slice %arg8[%run_scoped3A_64, %dma_start3A_149] : memref<8x128xi32, #tpu.memory_space<vmem>> -> memref<1x128xi32, #tpu.memory_space<vmem>>
        %dma_start3A_151 = tpu.memref_squeeze %dma_start3A_150 : memref<1x128xi32, #tpu.memory_space<vmem>> -> memref<128xi32, #tpu.memory_space<vmem>>
        %dma_start3A_152 = arith.constant 0 : i32
        %dma_start3A_153 = arith.constant 0 : i32
        %dma_start3A_154 = tpu.memref_slice %arg6[%dma_start3A_152, %dma_start3A_153] : memref<10240x128xf32, #tpu.memory_space<vmem_shared>> -> memref<10240x128xf32, #tpu.memory_space<vmem_shared>>
        tpu.enqueue_indirect_dma source(%arg10 : memref<128x128xf32, #tpu.memory_space<vmem>>) target(%dma_start3A_154 : memref<10240x128xf32, #tpu.memory_space<vmem_shared>>) offsets(%dma_start3A_151 : memref<128xi32, #tpu.memory_space<vmem>>) semaphore(%run_scoped3A_148 : memref<!tpu.dma_semaphore, #tpu.memory_space<semaphore_mem>>) {add = true}
        %dma_wait3A_155 = arith.constant 0 : i32
        %dma_wait3A_156 = tpu.memref_slice %arg8[%run_scoped3A_64, %dma_wait3A_155] : memref<8x128xi32, #tpu.memory_space<vmem>> -> memref<1x128xi32, #tpu.memory_space<vmem>>
        %dma_wait3A_157 = tpu.memref_squeeze %dma_wait3A_156 : memref<1x128xi32, #tpu.memory_space<vmem>> -> memref<128xi32, #tpu.memory_space<vmem>>
        %dma_wait3A_158 = arith.constant 0 : i32
        %dma_wait3A_159 = arith.constant 0 : i32
        %dma_wait3A_160 = tpu.memref_slice %arg6[%dma_wait3A_158, %dma_wait3A_159] : memref<10240x128xf32, #tpu.memory_space<vmem_shared>> -> memref<10240x128xf32, #tpu.memory_space<vmem_shared>>
        tpu.wait_indirect_dma semaphore(%run_scoped3A_148 : memref<!tpu.dma_semaphore, #tpu.memory_space<semaphore_mem>>) src(%arg10 : memref<128x128xf32, #tpu.memory_space<vmem>>) dst(%dma_wait3A_160 : memref<10240x128xf32, #tpu.memory_space<vmem_shared>>)
        tpu.yield
      }) : () -> ()
      %dma_start3A_65 = arith.constant 3 : i32
      %dma_start3A_66 = arith.constant 0 : i32
      %dma_start3A_67 = tpu.memref_slice %arg7[%dma_start3A_65, %dma_start3A_66] : memref<8x128xi32, #tpu.memory_space<vmem>> -> memref<1x128xi32, #tpu.memory_space<vmem>>
      %dma_start3A_68 = tpu.memref_squeeze %dma_start3A_67 : memref<1x128xi32, #tpu.memory_space<vmem>> -> memref<128xi32, #tpu.memory_space<vmem>>
      %dma_start3A_69 = arith.constant 0 : i32
      %dma_start3A_70 = arith.constant 0 : i32
      %dma_start3A_71 = tpu.memref_slice %arg2[%dma_start3A_69, %dma_start3A_70] : memref<20480x128xf32, #tpu.memory_space<hbm>> -> memref<20480x128xf32, #tpu.memory_space<hbm>>
      tpu.enqueue_indirect_dma source(%dma_start3A_71 : memref<20480x128xf32, #tpu.memory_space<hbm>>) target(%arg10 : memref<128x128xf32, #tpu.memory_space<vmem>>) offsets(%dma_start3A_68 : memref<128xi32, #tpu.memory_space<vmem>>) semaphore(%arg12 : memref<!tpu.dma_semaphore, #tpu.memory_space<semaphore_mem>>)
      %dma_wait3A_72 = arith.constant 2 : i32
      %dma_wait3A_73 = arith.constant 0 : i32
      %dma_wait3A_74 = tpu.memref_slice %arg7[%dma_wait3A_72, %dma_wait3A_73] : memref<8x128xi32, #tpu.memory_space<vmem>> -> memref<1x128xi32, #tpu.memory_space<vmem>>
      %dma_wait3A_75 = tpu.memref_squeeze %dma_wait3A_74 : memref<1x128xi32, #tpu.memory_space<vmem>> -> memref<128xi32, #tpu.memory_space<vmem>>
      %dma_wait3A_76 = arith.constant 0 : i32
      %dma_wait3A_77 = arith.constant 0 : i32
      %dma_wait3A_78 = tpu.memref_slice %arg2[%dma_wait3A_76, %dma_wait3A_77] : memref<20480x128xf32, #tpu.memory_space<hbm>> -> memref<20480x128xf32, #tpu.memory_space<hbm>>
      tpu.wait_indirect_dma semaphore(%arg11 : memref<!tpu.dma_semaphore, #tpu.memory_space<semaphore_mem>>) src(%dma_wait3A_78 : memref<20480x128xf32, #tpu.memory_space<hbm>>) dst(%arg9 : memref<128x128xf32, #tpu.memory_space<vmem>>)
      %run_scoped3A_79 = arith.constant 2 : i32
      "tpu.region"() ({
        %run_scoped3A_148 = tpu.sem_alloc : memref<!tpu.dma_semaphore, #tpu.memory_space<semaphore_mem>>
        %dma_start3A_149 = arith.constant 0 : i32
        %dma_start3A_150 = tpu.memref_slice %arg8[%run_scoped3A_79, %dma_start3A_149] : memref<8x128xi32, #tpu.memory_space<vmem>> -> memref<1x128xi32, #tpu.memory_space<vmem>>
        %dma_start3A_151 = tpu.memref_squeeze %dma_start3A_150 : memref<1x128xi32, #tpu.memory_space<vmem>> -> memref<128xi32, #tpu.memory_space<vmem>>
        %dma_start3A_152 = arith.constant 0 : i32
        %dma_start3A_153 = arith.constant 0 : i32
        %dma_start3A_154 = tpu.memref_slice %arg6[%dma_start3A_152, %dma_start3A_153] : memref<10240x128xf32, #tpu.memory_space<vmem_shared>> -> memref<10240x128xf32, #tpu.memory_space<vmem_shared>>
        tpu.enqueue_indirect_dma source(%arg9 : memref<128x128xf32, #tpu.memory_space<vmem>>) target(%dma_start3A_154 : memref<10240x128xf32, #tpu.memory_space<vmem_shared>>) offsets(%dma_start3A_151 : memref<128xi32, #tpu.memory_space<vmem>>) semaphore(%run_scoped3A_148 : memref<!tpu.dma_semaphore, #tpu.memory_space<semaphore_mem>>) {add = true}
        %dma_wait3A_155 = arith.constant 0 : i32
        %dma_wait3A_156 = tpu.memref_slice %arg8[%run_scoped3A_79, %dma_wait3A_155] : memref<8x128xi32, #tpu.memory_space<vmem>> -> memref<1x128xi32, #tpu.memory_space<vmem>>
        %dma_wait3A_157 = tpu.memref_squeeze %dma_wait3A_156 : memref<1x128xi32, #tpu.memory_space<vmem>> -> memref<128xi32, #tpu.memory_space<vmem>>
        %dma_wait3A_158 = arith.constant 0 : i32
        %dma_wait3A_159 = arith.constant 0 : i32
        %dma_wait3A_160 = tpu.memref_slice %arg6[%dma_wait3A_158, %dma_wait3A_159] : memref<10240x128xf32, #tpu.memory_space<vmem_shared>> -> memref<10240x128xf32, #tpu.memory_space<vmem_shared>>
        tpu.wait_indirect_dma semaphore(%run_scoped3A_148 : memref<!tpu.dma_semaphore, #tpu.memory_space<semaphore_mem>>) src(%arg9 : memref<128x128xf32, #tpu.memory_space<vmem>>) dst(%dma_wait3A_160 : memref<10240x128xf32, #tpu.memory_space<vmem_shared>>)
        tpu.yield
      }) : () -> ()
      %dma_start3A_80 = arith.constant 4 : i32
      %dma_start3A_81 = arith.constant 0 : i32
      %dma_start3A_82 = tpu.memref_slice %arg7[%dma_start3A_80, %dma_start3A_81] : memref<8x128xi32, #tpu.memory_space<vmem>> -> memref<1x128xi32, #tpu.memory_space<vmem>>
      %dma_start3A_83 = tpu.memref_squeeze %dma_start3A_82 : memref<1x128xi32, #tpu.memory_space<vmem>> -> memref<128xi32, #tpu.memory_space<vmem>>
      %dma_start3A_84 = arith.constant 0 : i32
      %dma_start3A_85 = arith.constant 0 : i32
      %dma_start3A_86 = tpu.memref_slice %arg2[%dma_start3A_84, %dma_start3A_85] : memref<20480x128xf32, #tpu.memory_space<hbm>> -> memref<20480x128xf32, #tpu.memory_space<hbm>>
      tpu.enqueue_indirect_dma source(%dma_start3A_86 : memref<20480x128xf32, #tpu.memory_space<hbm>>) target(%arg9 : memref<128x128xf32, #tpu.memory_space<vmem>>) offsets(%dma_start3A_83 : memref<128xi32, #tpu.memory_space<vmem>>) semaphore(%arg11 : memref<!tpu.dma_semaphore, #tpu.memory_space<semaphore_mem>>)
      %dma_wait3A_87 = arith.constant 3 : i32
      %dma_wait3A_88 = arith.constant 0 : i32
      %dma_wait3A_89 = tpu.memref_slice %arg7[%dma_wait3A_87, %dma_wait3A_88] : memref<8x128xi32, #tpu.memory_space<vmem>> -> memref<1x128xi32, #tpu.memory_space<vmem>>
      %dma_wait3A_90 = tpu.memref_squeeze %dma_wait3A_89 : memref<1x128xi32, #tpu.memory_space<vmem>> -> memref<128xi32, #tpu.memory_space<vmem>>
      %dma_wait3A_91 = arith.constant 0 : i32
      %dma_wait3A_92 = arith.constant 0 : i32
      %dma_wait3A_93 = tpu.memref_slice %arg2[%dma_wait3A_91, %dma_wait3A_92] : memref<20480x128xf32, #tpu.memory_space<hbm>> -> memref<20480x128xf32, #tpu.memory_space<hbm>>
      tpu.wait_indirect_dma semaphore(%arg12 : memref<!tpu.dma_semaphore, #tpu.memory_space<semaphore_mem>>) src(%dma_wait3A_93 : memref<20480x128xf32, #tpu.memory_space<hbm>>) dst(%arg10 : memref<128x128xf32, #tpu.memory_space<vmem>>)
      %run_scoped3A_94 = arith.constant 3 : i32
      "tpu.region"() ({
        %run_scoped3A_148 = tpu.sem_alloc : memref<!tpu.dma_semaphore, #tpu.memory_space<semaphore_mem>>
        %dma_start3A_149 = arith.constant 0 : i32
        %dma_start3A_150 = tpu.memref_slice %arg8[%run_scoped3A_94, %dma_start3A_149] : memref<8x128xi32, #tpu.memory_space<vmem>> -> memref<1x128xi32, #tpu.memory_space<vmem>>
        %dma_start3A_151 = tpu.memref_squeeze %dma_start3A_150 : memref<1x128xi32, #tpu.memory_space<vmem>> -> memref<128xi32, #tpu.memory_space<vmem>>
        %dma_start3A_152 = arith.constant 0 : i32
        %dma_start3A_153 = arith.constant 0 : i32
        %dma_start3A_154 = tpu.memref_slice %arg6[%dma_start3A_152, %dma_start3A_153] : memref<10240x128xf32, #tpu.memory_space<vmem_shared>> -> memref<10240x128xf32, #tpu.memory_space<vmem_shared>>
        tpu.enqueue_indirect_dma source(%arg10 : memref<128x128xf32, #tpu.memory_space<vmem>>) target(%dma_start3A_154 : memref<10240x128xf32, #tpu.memory_space<vmem_shared>>) offsets(%dma_start3A_151 : memref<128xi32, #tpu.memory_space<vmem>>) semaphore(%run_scoped3A_148 : memref<!tpu.dma_semaphore, #tpu.memory_space<semaphore_mem>>) {add = true}
        %dma_wait3A_155 = arith.constant 0 : i32
        %dma_wait3A_156 = tpu.memref_slice %arg8[%run_scoped3A_94, %dma_wait3A_155] : memref<8x128xi32, #tpu.memory_space<vmem>> -> memref<1x128xi32, #tpu.memory_space<vmem>>
        %dma_wait3A_157 = tpu.memref_squeeze %dma_wait3A_156 : memref<1x128xi32, #tpu.memory_space<vmem>> -> memref<128xi32, #tpu.memory_space<vmem>>
        %dma_wait3A_158 = arith.constant 0 : i32
        %dma_wait3A_159 = arith.constant 0 : i32
        %dma_wait3A_160 = tpu.memref_slice %arg6[%dma_wait3A_158, %dma_wait3A_159] : memref<10240x128xf32, #tpu.memory_space<vmem_shared>> -> memref<10240x128xf32, #tpu.memory_space<vmem_shared>>
        tpu.wait_indirect_dma semaphore(%run_scoped3A_148 : memref<!tpu.dma_semaphore, #tpu.memory_space<semaphore_mem>>) src(%arg10 : memref<128x128xf32, #tpu.memory_space<vmem>>) dst(%dma_wait3A_160 : memref<10240x128xf32, #tpu.memory_space<vmem_shared>>)
        tpu.yield
      }) : () -> ()
      %dma_start3A_95 = arith.constant 5 : i32
      %dma_start3A_96 = arith.constant 0 : i32
      %dma_start3A_97 = tpu.memref_slice %arg7[%dma_start3A_95, %dma_start3A_96] : memref<8x128xi32, #tpu.memory_space<vmem>> -> memref<1x128xi32, #tpu.memory_space<vmem>>
      %dma_start3A_98 = tpu.memref_squeeze %dma_start3A_97 : memref<1x128xi32, #tpu.memory_space<vmem>> -> memref<128xi32, #tpu.memory_space<vmem>>
      %dma_start3A_99 = arith.constant 0 : i32
      %dma_start3A_100 = arith.constant 0 : i32
      %dma_start3A_101 = tpu.memref_slice %arg2[%dma_start3A_99, %dma_start3A_100] : memref<20480x128xf32, #tpu.memory_space<hbm>> -> memref<20480x128xf32, #tpu.memory_space<hbm>>
      tpu.enqueue_indirect_dma source(%dma_start3A_101 : memref<20480x128xf32, #tpu.memory_space<hbm>>) target(%arg10 : memref<128x128xf32, #tpu.memory_space<vmem>>) offsets(%dma_start3A_98 : memref<128xi32, #tpu.memory_space<vmem>>) semaphore(%arg12 : memref<!tpu.dma_semaphore, #tpu.memory_space<semaphore_mem>>)
      %dma_wait3A_102 = arith.constant 4 : i32
      %dma_wait3A_103 = arith.constant 0 : i32
      %dma_wait3A_104 = tpu.memref_slice %arg7[%dma_wait3A_102, %dma_wait3A_103] : memref<8x128xi32, #tpu.memory_space<vmem>> -> memref<1x128xi32, #tpu.memory_space<vmem>>
      %dma_wait3A_105 = tpu.memref_squeeze %dma_wait3A_104 : memref<1x128xi32, #tpu.memory_space<vmem>> -> memref<128xi32, #tpu.memory_space<vmem>>
      %dma_wait3A_106 = arith.constant 0 : i32
      %dma_wait3A_107 = arith.constant 0 : i32
      %dma_wait3A_108 = tpu.memref_slice %arg2[%dma_wait3A_106, %dma_wait3A_107] : memref<20480x128xf32, #tpu.memory_space<hbm>> -> memref<20480x128xf32, #tpu.memory_space<hbm>>
      tpu.wait_indirect_dma semaphore(%arg11 : memref<!tpu.dma_semaphore, #tpu.memory_space<semaphore_mem>>) src(%dma_wait3A_108 : memref<20480x128xf32, #tpu.memory_space<hbm>>) dst(%arg9 : memref<128x128xf32, #tpu.memory_space<vmem>>)
      %run_scoped3A_109 = arith.constant 4 : i32
      "tpu.region"() ({
        %run_scoped3A_148 = tpu.sem_alloc : memref<!tpu.dma_semaphore, #tpu.memory_space<semaphore_mem>>
        %dma_start3A_149 = arith.constant 0 : i32
        %dma_start3A_150 = tpu.memref_slice %arg8[%run_scoped3A_109, %dma_start3A_149] : memref<8x128xi32, #tpu.memory_space<vmem>> -> memref<1x128xi32, #tpu.memory_space<vmem>>
        %dma_start3A_151 = tpu.memref_squeeze %dma_start3A_150 : memref<1x128xi32, #tpu.memory_space<vmem>> -> memref<128xi32, #tpu.memory_space<vmem>>
        %dma_start3A_152 = arith.constant 0 : i32
        %dma_start3A_153 = arith.constant 0 : i32
        %dma_start3A_154 = tpu.memref_slice %arg6[%dma_start3A_152, %dma_start3A_153] : memref<10240x128xf32, #tpu.memory_space<vmem_shared>> -> memref<10240x128xf32, #tpu.memory_space<vmem_shared>>
        tpu.enqueue_indirect_dma source(%arg9 : memref<128x128xf32, #tpu.memory_space<vmem>>) target(%dma_start3A_154 : memref<10240x128xf32, #tpu.memory_space<vmem_shared>>) offsets(%dma_start3A_151 : memref<128xi32, #tpu.memory_space<vmem>>) semaphore(%run_scoped3A_148 : memref<!tpu.dma_semaphore, #tpu.memory_space<semaphore_mem>>) {add = true}
        %dma_wait3A_155 = arith.constant 0 : i32
        %dma_wait3A_156 = tpu.memref_slice %arg8[%run_scoped3A_109, %dma_wait3A_155] : memref<8x128xi32, #tpu.memory_space<vmem>> -> memref<1x128xi32, #tpu.memory_space<vmem>>
        %dma_wait3A_157 = tpu.memref_squeeze %dma_wait3A_156 : memref<1x128xi32, #tpu.memory_space<vmem>> -> memref<128xi32, #tpu.memory_space<vmem>>
        %dma_wait3A_158 = arith.constant 0 : i32
        %dma_wait3A_159 = arith.constant 0 : i32
        %dma_wait3A_160 = tpu.memref_slice %arg6[%dma_wait3A_158, %dma_wait3A_159] : memref<10240x128xf32, #tpu.memory_space<vmem_shared>> -> memref<10240x128xf32, #tpu.memory_space<vmem_shared>>
        tpu.wait_indirect_dma semaphore(%run_scoped3A_148 : memref<!tpu.dma_semaphore, #tpu.memory_space<semaphore_mem>>) src(%arg9 : memref<128x128xf32, #tpu.memory_space<vmem>>) dst(%dma_wait3A_160 : memref<10240x128xf32, #tpu.memory_space<vmem_shared>>)
        tpu.yield
      }) : () -> ()
      %dma_start3A_110 = arith.constant 6 : i32
      %dma_start3A_111 = arith.constant 0 : i32
      %dma_start3A_112 = tpu.memref_slice %arg7[%dma_start3A_110, %dma_start3A_111] : memref<8x128xi32, #tpu.memory_space<vmem>> -> memref<1x128xi32, #tpu.memory_space<vmem>>
      %dma_start3A_113 = tpu.memref_squeeze %dma_start3A_112 : memref<1x128xi32, #tpu.memory_space<vmem>> -> memref<128xi32, #tpu.memory_space<vmem>>
      %dma_start3A_114 = arith.constant 0 : i32
      %dma_start3A_115 = arith.constant 0 : i32
      %dma_start3A_116 = tpu.memref_slice %arg2[%dma_start3A_114, %dma_start3A_115] : memref<20480x128xf32, #tpu.memory_space<hbm>> -> memref<20480x128xf32, #tpu.memory_space<hbm>>
      tpu.enqueue_indirect_dma source(%dma_start3A_116 : memref<20480x128xf32, #tpu.memory_space<hbm>>) target(%arg9 : memref<128x128xf32, #tpu.memory_space<vmem>>) offsets(%dma_start3A_113 : memref<128xi32, #tpu.memory_space<vmem>>) semaphore(%arg11 : memref<!tpu.dma_semaphore, #tpu.memory_space<semaphore_mem>>)
      %dma_wait3A_117 = arith.constant 5 : i32
      %dma_wait3A_118 = arith.constant 0 : i32
      %dma_wait3A_119 = tpu.memref_slice %arg7[%dma_wait3A_117, %dma_wait3A_118] : memref<8x128xi32, #tpu.memory_space<vmem>> -> memref<1x128xi32, #tpu.memory_space<vmem>>
      %dma_wait3A_120 = tpu.memref_squeeze %dma_wait3A_119 : memref<1x128xi32, #tpu.memory_space<vmem>> -> memref<128xi32, #tpu.memory_space<vmem>>
      %dma_wait3A_121 = arith.constant 0 : i32
      %dma_wait3A_122 = arith.constant 0 : i32
      %dma_wait3A_123 = tpu.memref_slice %arg2[%dma_wait3A_121, %dma_wait3A_122] : memref<20480x128xf32, #tpu.memory_space<hbm>> -> memref<20480x128xf32, #tpu.memory_space<hbm>>
      tpu.wait_indirect_dma semaphore(%arg12 : memref<!tpu.dma_semaphore, #tpu.memory_space<semaphore_mem>>) src(%dma_wait3A_123 : memref<20480x128xf32, #tpu.memory_space<hbm>>) dst(%arg10 : memref<128x128xf32, #tpu.memory_space<vmem>>)
      %run_scoped3A_124 = arith.constant 5 : i32
      "tpu.region"() ({
        %run_scoped3A_148 = tpu.sem_alloc : memref<!tpu.dma_semaphore, #tpu.memory_space<semaphore_mem>>
        %dma_start3A_149 = arith.constant 0 : i32
        %dma_start3A_150 = tpu.memref_slice %arg8[%run_scoped3A_124, %dma_start3A_149] : memref<8x128xi32, #tpu.memory_space<vmem>> -> memref<1x128xi32, #tpu.memory_space<vmem>>
        %dma_start3A_151 = tpu.memref_squeeze %dma_start3A_150 : memref<1x128xi32, #tpu.memory_space<vmem>> -> memref<128xi32, #tpu.memory_space<vmem>>
        %dma_start3A_152 = arith.constant 0 : i32
        %dma_start3A_153 = arith.constant 0 : i32
        %dma_start3A_154 = tpu.memref_slice %arg6[%dma_start3A_152, %dma_start3A_153] : memref<10240x128xf32, #tpu.memory_space<vmem_shared>> -> memref<10240x128xf32, #tpu.memory_space<vmem_shared>>
        tpu.enqueue_indirect_dma source(%arg10 : memref<128x128xf32, #tpu.memory_space<vmem>>) target(%dma_start3A_154 : memref<10240x128xf32, #tpu.memory_space<vmem_shared>>) offsets(%dma_start3A_151 : memref<128xi32, #tpu.memory_space<vmem>>) semaphore(%run_scoped3A_148 : memref<!tpu.dma_semaphore, #tpu.memory_space<semaphore_mem>>) {add = true}
        %dma_wait3A_155 = arith.constant 0 : i32
        %dma_wait3A_156 = tpu.memref_slice %arg8[%run_scoped3A_124, %dma_wait3A_155] : memref<8x128xi32, #tpu.memory_space<vmem>> -> memref<1x128xi32, #tpu.memory_space<vmem>>
        %dma_wait3A_157 = tpu.memref_squeeze %dma_wait3A_156 : memref<1x128xi32, #tpu.memory_space<vmem>> -> memref<128xi32, #tpu.memory_space<vmem>>
        %dma_wait3A_158 = arith.constant 0 : i32
        %dma_wait3A_159 = arith.constant 0 : i32
        %dma_wait3A_160 = tpu.memref_slice %arg6[%dma_wait3A_158, %dma_wait3A_159] : memref<10240x128xf32, #tpu.memory_space<vmem_shared>> -> memref<10240x128xf32, #tpu.memory_space<vmem_shared>>
        tpu.wait_indirect_dma semaphore(%run_scoped3A_148 : memref<!tpu.dma_semaphore, #tpu.memory_space<semaphore_mem>>) src(%arg10 : memref<128x128xf32, #tpu.memory_space<vmem>>) dst(%dma_wait3A_160 : memref<10240x128xf32, #tpu.memory_space<vmem_shared>>)
        tpu.yield
      }) : () -> ()
      %dma_start3A_125 = arith.constant 7 : i32
      %dma_start3A_126 = arith.constant 0 : i32
      %dma_start3A_127 = tpu.memref_slice %arg7[%dma_start3A_125, %dma_start3A_126] : memref<8x128xi32, #tpu.memory_space<vmem>> -> memref<1x128xi32, #tpu.memory_space<vmem>>
      %dma_start3A_128 = tpu.memref_squeeze %dma_start3A_127 : memref<1x128xi32, #tpu.memory_space<vmem>> -> memref<128xi32, #tpu.memory_space<vmem>>
      %dma_start3A_129 = arith.constant 0 : i32
      %dma_start3A_130 = arith.constant 0 : i32
      %dma_start3A_131 = tpu.memref_slice %arg2[%dma_start3A_129, %dma_start3A_130] : memref<20480x128xf32, #tpu.memory_space<hbm>> -> memref<20480x128xf32, #tpu.memory_space<hbm>>
      tpu.enqueue_indirect_dma source(%dma_start3A_131 : memref<20480x128xf32, #tpu.memory_space<hbm>>) target(%arg10 : memref<128x128xf32, #tpu.memory_space<vmem>>) offsets(%dma_start3A_128 : memref<128xi32, #tpu.memory_space<vmem>>) semaphore(%arg12 : memref<!tpu.dma_semaphore, #tpu.memory_space<semaphore_mem>>)
      %dma_wait3A_132 = arith.constant 6 : i32
      %dma_wait3A_133 = arith.constant 0 : i32
      %dma_wait3A_134 = tpu.memref_slice %arg7[%dma_wait3A_132, %dma_wait3A_133] : memref<8x128xi32, #tpu.memory_space<vmem>> -> memref<1x128xi32, #tpu.memory_space<vmem>>
      %dma_wait3A_135 = tpu.memref_squeeze %dma_wait3A_134 : memref<1x128xi32, #tpu.memory_space<vmem>> -> memref<128xi32, #tpu.memory_space<vmem>>
      %dma_wait3A_136 = arith.constant 0 : i32
      %dma_wait3A_137 = arith.constant 0 : i32
      %dma_wait3A_138 = tpu.memref_slice %arg2[%dma_wait3A_136, %dma_wait3A_137] : memref<20480x128xf32, #tpu.memory_space<hbm>> -> memref<20480x128xf32, #tpu.memory_space<hbm>>
      tpu.wait_indirect_dma semaphore(%arg11 : memref<!tpu.dma_semaphore, #tpu.memory_space<semaphore_mem>>) src(%dma_wait3A_138 : memref<20480x128xf32, #tpu.memory_space<hbm>>) dst(%arg9 : memref<128x128xf32, #tpu.memory_space<vmem>>)
      %run_scoped3A_139 = arith.constant 6 : i32
      "tpu.region"() ({
        %run_scoped3A_148 = tpu.sem_alloc : memref<!tpu.dma_semaphore, #tpu.memory_space<semaphore_mem>>
        %dma_start3A_149 = arith.constant 0 : i32
        %dma_start3A_150 = tpu.memref_slice %arg8[%run_scoped3A_139, %dma_start3A_149] : memref<8x128xi32, #tpu.memory_space<vmem>> -> memref<1x128xi32, #tpu.memory_space<vmem>>
        %dma_start3A_151 = tpu.memref_squeeze %dma_start3A_150 : memref<1x128xi32, #tpu.memory_space<vmem>> -> memref<128xi32, #tpu.memory_space<vmem>>
        %dma_start3A_152 = arith.constant 0 : i32
        %dma_start3A_153 = arith.constant 0 : i32
        %dma_start3A_154 = tpu.memref_slice %arg6[%dma_start3A_152, %dma_start3A_153] : memref<10240x128xf32, #tpu.memory_space<vmem_shared>> -> memref<10240x128xf32, #tpu.memory_space<vmem_shared>>
        tpu.enqueue_indirect_dma source(%arg9 : memref<128x128xf32, #tpu.memory_space<vmem>>) target(%dma_start3A_154 : memref<10240x128xf32, #tpu.memory_space<vmem_shared>>) offsets(%dma_start3A_151 : memref<128xi32, #tpu.memory_space<vmem>>) semaphore(%run_scoped3A_148 : memref<!tpu.dma_semaphore, #tpu.memory_space<semaphore_mem>>) {add = true}
        %dma_wait3A_155 = arith.constant 0 : i32
        %dma_wait3A_156 = tpu.memref_slice %arg8[%run_scoped3A_139, %dma_wait3A_155] : memref<8x128xi32, #tpu.memory_space<vmem>> -> memref<1x128xi32, #tpu.memory_space<vmem>>
        %dma_wait3A_157 = tpu.memref_squeeze %dma_wait3A_156 : memref<1x128xi32, #tpu.memory_space<vmem>> -> memref<128xi32, #tpu.memory_space<vmem>>
        %dma_wait3A_158 = arith.constant 0 : i32
        %dma_wait3A_159 = arith.constant 0 : i32
        %dma_wait3A_160 = tpu.memref_slice %arg6[%dma_wait3A_158, %dma_wait3A_159] : memref<10240x128xf32, #tpu.memory_space<vmem_shared>> -> memref<10240x128xf32, #tpu.memory_space<vmem_shared>>
        tpu.wait_indirect_dma semaphore(%run_scoped3A_148 : memref<!tpu.dma_semaphore, #tpu.memory_space<semaphore_mem>>) src(%arg9 : memref<128x128xf32, #tpu.memory_space<vmem>>) dst(%dma_wait3A_160 : memref<10240x128xf32, #tpu.memory_space<vmem_shared>>)
        tpu.yield
      }) : () -> ()
      %dma_wait3A_140 = arith.constant 7 : i32
      %dma_wait3A_141 = arith.constant 0 : i32
      %dma_wait3A_142 = tpu.memref_slice %arg7[%dma_wait3A_140, %dma_wait3A_141] : memref<8x128xi32, #tpu.memory_space<vmem>> -> memref<1x128xi32, #tpu.memory_space<vmem>>
      %dma_wait3A_143 = tpu.memref_squeeze %dma_wait3A_142 : memref<1x128xi32, #tpu.memory_space<vmem>> -> memref<128xi32, #tpu.memory_space<vmem>>
      %dma_wait3A_144 = arith.constant 0 : i32
      %dma_wait3A_145 = arith.constant 0 : i32
      %dma_wait3A_146 = tpu.memref_slice %arg2[%dma_wait3A_144, %dma_wait3A_145] : memref<20480x128xf32, #tpu.memory_space<hbm>> -> memref<20480x128xf32, #tpu.memory_space<hbm>>
      tpu.wait_indirect_dma semaphore(%arg12 : memref<!tpu.dma_semaphore, #tpu.memory_space<semaphore_mem>>) src(%dma_wait3A_146 : memref<20480x128xf32, #tpu.memory_space<hbm>>) dst(%arg10 : memref<128x128xf32, #tpu.memory_space<vmem>>)
      %run_scoped3A_147 = arith.constant 7 : i32
      "tpu.region"() ({
        %run_scoped3A_148 = tpu.sem_alloc : memref<!tpu.dma_semaphore, #tpu.memory_space<semaphore_mem>>
        %dma_start3A_149 = arith.constant 0 : i32
        %dma_start3A_150 = tpu.memref_slice %arg8[%run_scoped3A_147, %dma_start3A_149] : memref<8x128xi32, #tpu.memory_space<vmem>> -> memref<1x128xi32, #tpu.memory_space<vmem>>
        %dma_start3A_151 = tpu.memref_squeeze %dma_start3A_150 : memref<1x128xi32, #tpu.memory_space<vmem>> -> memref<128xi32, #tpu.memory_space<vmem>>
        %dma_start3A_152 = arith.constant 0 : i32
        %dma_start3A_153 = arith.constant 0 : i32
        %dma_start3A_154 = tpu.memref_slice %arg6[%dma_start3A_152, %dma_start3A_153] : memref<10240x128xf32, #tpu.memory_space<vmem_shared>> -> memref<10240x128xf32, #tpu.memory_space<vmem_shared>>
        tpu.enqueue_indirect_dma source(%arg10 : memref<128x128xf32, #tpu.memory_space<vmem>>) target(%dma_start3A_154 : memref<10240x128xf32, #tpu.memory_space<vmem_shared>>) offsets(%dma_start3A_151 : memref<128xi32, #tpu.memory_space<vmem>>) semaphore(%run_scoped3A_148 : memref<!tpu.dma_semaphore, #tpu.memory_space<semaphore_mem>>) {add = true}
        %dma_wait3A_155 = arith.constant 0 : i32
        %dma_wait3A_156 = tpu.memref_slice %arg8[%run_scoped3A_147, %dma_wait3A_155] : memref<8x128xi32, #tpu.memory_space<vmem>> -> memref<1x128xi32, #tpu.memory_space<vmem>>
        %dma_wait3A_157 = tpu.memref_squeeze %dma_wait3A_156 : memref<1x128xi32, #tpu.memory_space<vmem>> -> memref<128xi32, #tpu.memory_space<vmem>>
        %dma_wait3A_158 = arith.constant 0 : i32
        %dma_wait3A_159 = arith.constant 0 : i32
        %dma_wait3A_160 = tpu.memref_slice %arg6[%dma_wait3A_158, %dma_wait3A_159] : memref<10240x128xf32, #tpu.memory_space<vmem_shared>> -> memref<10240x128xf32, #tpu.memory_space<vmem_shared>>
        tpu.wait_indirect_dma semaphore(%run_scoped3A_148 : memref<!tpu.dma_semaphore, #tpu.memory_space<semaphore_mem>>) src(%arg10 : memref<128x128xf32, #tpu.memory_space<vmem>>) dst(%dma_wait3A_160 : memref<10240x128xf32, #tpu.memory_space<vmem_shared>>)
        tpu.yield
      }) : () -> ()
    }
    %scan3A_15 = arith.constant 10 : i32
    %barrier3A_16 = arith.constant 0 : index
    tpu.barrier barrier_id(%barrier3A_16)
    %mul3A_17 = arith.constant 640 : i32
    %mul3A_18 = arith.muli %arg1, %mul3A_17 : i32
    %mul3A_19 = arith.constant 10240 : i32
    %mul3A_20 = arith.muli %arg0, %mul3A_19 : i32
    %mul3A_21 = arith.constant 640 : i32
    %mul3A_22 = arith.muli %arg1, %mul3A_21 : i32
    %add3A_23 = arith.addi %mul3A_20, %mul3A_22 : i32
    "tpu.region"() ({
      %run_scoped3A = tpu.sem_alloc : memref<!tpu.dma_semaphore, #tpu.memory_space<semaphore_mem>>
      %dma_start3A = arith.constant 0 : i32
      %dma_start3A_24 = tpu.memref_slice %arg5[%add3A_23, %dma_start3A] : memref<20480x128xf32, #tpu.memory_space<hbm>> -> memref<640x128xf32, #tpu.memory_space<hbm>>
      %dma_start3A_25 = arith.constant 0 : i32
      %dma_start3A_26 = tpu.memref_slice %arg6[%mul3A_18, %dma_start3A_25] : memref<10240x128xf32, #tpu.memory_space<vmem_shared>> -> memref<640x128xf32, #tpu.memory_space<vmem_shared>>
      tpu.enqueue_dma source(%dma_start3A_26 : memref<640x128xf32, #tpu.memory_space<vmem_shared>>) target(%dma_start3A_24 : memref<640x128xf32, #tpu.memory_space<hbm>>) target_semaphore(%run_scoped3A : memref<!tpu.dma_semaphore, #tpu.memory_space<semaphore_mem>>)
      %dma_wait3A = arith.constant 0 : i32
      %dma_wait3A_27 = tpu.memref_slice %arg5[%add3A_23, %dma_wait3A] : memref<20480x128xf32, #tpu.memory_space<hbm>> -> memref<640x128xf32, #tpu.memory_space<hbm>>
      %dma_wait3A_28 = arith.constant 0 : i32
      %dma_wait3A_29 = tpu.memref_slice %arg6[%mul3A_18, %dma_wait3A_28] : memref<10240x128xf32, #tpu.memory_space<vmem_shared>> -> memref<640x128xf32, #tpu.memory_space<vmem_shared>>
      tpu.wait_dma2 semaphore(%run_scoped3A : memref<!tpu.dma_semaphore, #tpu.memory_space<semaphore_mem>>) src(%dma_wait3A_29 : memref<640x128xf32, #tpu.memory_space<vmem_shared>>) dst(%dma_wait3A_27 : memref<640x128xf32, #tpu.memory_space<hbm>>)
      tpu.yield
    }) : () -> ()
    return
  }
}

module attributes {stable_mosaic.version = 14 : i64} {
  func.func @_hp1_body(%arg0: i32, %arg1: i32, %arg2: memref<512x256xf32, #tpu.memory_space<vmem>>, %arg3: memref<256x128xf32, #tpu.memory_space<vmem>>, %arg4: memref<512x128xf32, #tpu.memory_space<vmem>>, %arg5: memref<512x128xf32, #tpu.memory_space<vmem>>, %arg6: memref<512x128xf32, #tpu.memory_space<vmem>>) attributes {dimension_semantics = [#tpu.dimension_semantics<arbitrary>, #tpu.dimension_semantics<arbitrary>], iteration_bounds = array<i64: 2, 20>, scalar_prefetch = 0 : i64, scratch_operands = 0 : i64, tpu.core_type = #tpu.core_type<tc>, window_params = [{transform_indices = @transform_0, window_bounds = array<i64: 512, 256>}, {transform_indices = @transform_1, window_bounds = array<i64: 256, 128>}, {transform_indices = @transform_2, window_bounds = array<i64: 512, 128>}, {transform_indices = @transform_3, window_bounds = array<i64: 512, 128>}, {transform_indices = @transform_4, window_bounds = array<i64: 512, 128>}]} {
    %get3A = arith.constant 0 : index
    %get3A_0 = arith.constant 0 : index
    %get3A_1 = vector.load %arg4[%get3A, %get3A_0] : memref<512x128xf32, #tpu.memory_space<vmem>>, vector<512x128xf32>
    %get3A_2 = arith.constant 0 : index
    %get3A_3 = arith.constant 0 : index
    %get3A_4 = vector.load %arg5[%get3A_2, %get3A_3] : memref<512x128xf32, #tpu.memory_space<vmem>>, vector<512x128xf32>
    %slice3A = vector.extract_strided_slice %get3A_1 {offsets = [0, 0], sizes = [512, 1], strides = [1, 1]} : vector<512x128xf32> to vector<512x1xf32>
    %slice3A_5 = vector.extract_strided_slice %get3A_4 {offsets = [0, 0], sizes = [512, 1], strides = [1, 1]} : vector<512x128xf32> to vector<512x1xf32>
    %add3A = arith.addf %slice3A, %slice3A_5 : vector<512x1xf32>
    %add3A_6 = arith.constant 1.000000e+00 : f32
    %add3A_7 = vector.broadcast %add3A_6 : f32 to vector<512x1xf32>
    %add3A_8 = arith.addf %add3A, %add3A_7 : vector<512x1xf32>
    %max3A = arith.constant 1.000000e+00 : f32
    %max3A_9 = vector.broadcast %max3A : f32 to vector<512x1xf32>
    %max3A_10 = arith.maximumf %add3A_8, %max3A_9 : vector<512x1xf32>
    %rsqrt3A = math.rsqrt %max3A_10 : vector<512x1xf32>
    %get3A_11 = arith.constant 0 : index
    %get3A_12 = arith.constant 0 : index
    %get3A_13 = vector.load %arg2[%get3A_11, %get3A_12] : memref<512x256xf32, #tpu.memory_space<vmem>>, vector<512x256xf32>
    %get3A_14 = arith.constant 0 : index
    %get3A_15 = arith.constant 0 : index
    %get3A_16 = vector.load %arg3[%get3A_14, %get3A_15] : memref<256x128xf32, #tpu.memory_space<vmem>>, vector<256x128xf32>
    %dot_general3A = arith.constant dense<0.000000e+00> : vector<512x128xf32>
    %dot_general3A_17 = tpu.matmul %get3A_13, %get3A_16, %dot_general3A {dimension_numbers = #tpu.dot_dimension_numbers<[1], [0], [0], [1], [0, 0, 1, 1], [], []>, transpose_lhs_hint = false} : vector<512x256xf32>, vector<256x128xf32>, vector<512x128xf32> -> vector<512x128xf32>
    %mul3A = vector.broadcast %rsqrt3A : vector<512x1xf32> to vector<512x128xf32>
    %mul3A_18 = arith.mulf %mul3A, %dot_general3A_17 : vector<512x128xf32>
    %swap3A = arith.constant 0 : index
    %swap3A_19 = arith.constant 0 : index
    %swap3A_20 = vector.load %arg6[%swap3A, %swap3A_19] : memref<512x128xf32, #tpu.memory_space<vmem>>, vector<512x128xf32>
    tpu.vector_store %arg6[%swap3A, %swap3A_19], %mul3A_18 {strides = array<i32>} : memref<512x128xf32, #tpu.memory_space<vmem>>, vector<512x128xf32>,
    return
  }
  func.func @transform_0(%arg0: i32, %arg1: i32) -> (i32, i32) {
    %c0_i32 = arith.constant 0 : i32
    %c0_i32_0 = arith.constant 0 : i32
    return %arg1, %c0_i32 : i32, i32
  }
  func.func @transform_1(%arg0: i32, %arg1: i32) -> (i32, i32) {
    %c0_i32 = arith.constant 0 : i32
    %c0_i32_0 = arith.constant 0 : i32
    return %c0_i32, %arg0 : i32, i32
  }
  func.func @transform_2(%arg0: i32, %arg1: i32) -> (i32, i32) {
    %c0_i32 = arith.constant 0 : i32
    %c0_i32_0 = arith.constant 0 : i32
    return %arg1, %c0_i32 : i32, i32
  }
  func.func @transform_3(%arg0: i32, %arg1: i32) -> (i32, i32) {
    %c0_i32 = arith.constant 0 : i32
    %c0_i32_0 = arith.constant 0 : i32
    return %arg1, %c0_i32 : i32, i32
  }
  func.func @transform_4(%arg0: i32, %arg1: i32) -> (i32, i32) {
    %mul3A = arith.constant 20 : i32
    %mul3A_0 = arith.muli %arg0, %mul3A : i32
    %add3A = arith.addi %mul3A_0, %arg1 : i32
    %c0_i32 = arith.constant 0 : i32
    %c0_i32_1 = arith.constant 0 : i32
    return %add3A, %c0_i32 : i32, i32
  }
}

module attributes {stable_mosaic.version = 14 : i64} {
  func.func @_hp2_body(%arg0: i32, %arg1: i32, %arg2: memref<512x128xf32, #tpu.memory_space<vmem>>, %arg3: memref<512x128xf32, #tpu.memory_space<vmem>>, %arg4: memref<512x128xf32, #tpu.memory_space<vmem>>, %arg5: memref<512x128xf32, #tpu.memory_space<vmem>>, %arg6: memref<2x128xf32, #tpu.memory_space<vmem>>, %arg7: memref<128x128xf32, #tpu.memory_space<vmem>>, %arg8: memref<128x128xf32, #tpu.memory_space<vmem>>, %arg9: memref<512x128xf32, #tpu.memory_space<vmem>>) attributes {dimension_semantics = [#tpu.dimension_semantics<arbitrary>, #tpu.dimension_semantics<arbitrary>], iteration_bounds = array<i64: 2, 20>, scalar_prefetch = 0 : i64, scratch_operands = 0 : i64, tpu.core_type = #tpu.core_type<tc>, window_params = [{transform_indices = @transform_0, window_bounds = array<i64: 512, 128>}, {transform_indices = @transform_1, window_bounds = array<i64: 512, 128>}, {transform_indices = @transform_2, window_bounds = array<i64: 512, 128>}, {transform_indices = @transform_3, window_bounds = array<i64: 512, 128>}, {pipeline_mode = #tpu.pipeline_mode<synchronous>, transform_indices = @transform_4, window_bounds = array<i64: 2, 128>}, {transform_indices = @transform_5, window_bounds = array<i64: 128, 128>}, {transform_indices = @transform_6, window_bounds = array<i64: 128, 128>}, {transform_indices = @transform_7, window_bounds = array<i64: 512, 128>}]} {
    %get3A = arith.constant 0 : index
    %get3A_0 = arith.constant 0 : index
    %get3A_1 = vector.load %arg4[%get3A, %get3A_0] : memref<512x128xf32, #tpu.memory_space<vmem>>, vector<512x128xf32>
    %get3A_2 = arith.constant 0 : index
    %get3A_3 = arith.constant 0 : index
    %get3A_4 = vector.load %arg5[%get3A_2, %get3A_3] : memref<512x128xf32, #tpu.memory_space<vmem>>, vector<512x128xf32>
    %slice3A = vector.extract_strided_slice %get3A_1 {offsets = [0, 0], sizes = [512, 1], strides = [1, 1]} : vector<512x128xf32> to vector<512x1xf32>
    %slice3A_5 = vector.extract_strided_slice %get3A_4 {offsets = [0, 0], sizes = [512, 1], strides = [1, 1]} : vector<512x128xf32> to vector<512x1xf32>
    %add3A = arith.addf %slice3A, %slice3A_5 : vector<512x1xf32>
    %add3A_6 = arith.constant 1.000000e+00 : f32
    %add3A_7 = vector.broadcast %add3A_6 : f32 to vector<512x1xf32>
    %add3A_8 = arith.addf %add3A, %add3A_7 : vector<512x1xf32>
    %max3A = arith.constant 1.000000e+00 : f32
    %max3A_9 = vector.broadcast %max3A : f32 to vector<512x1xf32>
    %max3A_10 = arith.maximumf %add3A_8, %max3A_9 : vector<512x1xf32>
    %rsqrt3A = math.rsqrt %max3A_10 : vector<512x1xf32>
    %get3A_11 = arith.constant 0 : index
    %get3A_12 = arith.constant 0 : index
    %get3A_13 = vector.load %arg6[%get3A_11, %get3A_12] : memref<2x128xf32, #tpu.memory_space<vmem>>, vector<2x128xf32>
    %get3A_14 = arith.constant 0 : index
    %get3A_15 = arith.constant 0 : index
    %get3A_16 = vector.load %arg2[%get3A_14, %get3A_15] : memref<512x128xf32, #tpu.memory_space<vmem>>, vector<512x128xf32>
    %mul3A = vector.broadcast %rsqrt3A : vector<512x1xf32> to vector<512x128xf32>
    %mul3A_17 = arith.mulf %mul3A, %get3A_16 : vector<512x128xf32>
    %slice3A_18 = vector.extract_strided_slice %get3A_13 {offsets = [0, 0], sizes = [1, 128], strides = [1, 1]} : vector<2x128xf32> to vector<1x128xf32>
    %add3A_19 = vector.broadcast %slice3A_18 : vector<1x128xf32> to vector<512x128xf32>
    %add3A_20 = arith.addf %mul3A_17, %add3A_19 : vector<512x128xf32>
    %max3A_21 = arith.constant 0.000000e+00 : f32
    %max3A_22 = vector.broadcast %max3A_21 : f32 to vector<512x128xf32>
    %max3A_23 = arith.maximumf %add3A_20, %max3A_22 : vector<512x128xf32>
    %get3A_24 = arith.constant 0 : index
    %get3A_25 = arith.constant 0 : index
    %get3A_26 = vector.load %arg3[%get3A_24, %get3A_25] : memref<512x128xf32, #tpu.memory_space<vmem>>, vector<512x128xf32>
    %mul3A_27 = vector.broadcast %rsqrt3A : vector<512x1xf32> to vector<512x128xf32>
    %mul3A_28 = arith.mulf %mul3A_27, %get3A_26 : vector<512x128xf32>
    %slice3A_29 = vector.extract_strided_slice %get3A_13 {offsets = [1, 0], sizes = [1, 128], strides = [1, 1]} : vector<2x128xf32> to vector<1x128xf32>
    %add3A_30 = vector.broadcast %slice3A_29 : vector<1x128xf32> to vector<512x128xf32>
    %add3A_31 = arith.addf %mul3A_28, %add3A_30 : vector<512x128xf32>
    %max3A_32 = arith.constant 0.000000e+00 : f32
    %max3A_33 = vector.broadcast %max3A_32 : f32 to vector<512x128xf32>
    %max3A_34 = arith.maximumf %add3A_31, %max3A_33 : vector<512x128xf32>
    %get3A_35 = arith.constant 0 : index
    %get3A_36 = arith.constant 0 : index
    %get3A_37 = vector.load %arg7[%get3A_35, %get3A_36] : memref<128x128xf32, #tpu.memory_space<vmem>>, vector<128x128xf32>
    %dot_general3A = arith.constant dense<0.000000e+00> : vector<512x128xf32>
    %dot_general3A_38 = tpu.matmul %max3A_23, %get3A_37, %dot_general3A {dimension_numbers = #tpu.dot_dimension_numbers<[1], [0], [0], [1], [0, 0, 1, 1], [], []>, transpose_lhs_hint = false} : vector<512x128xf32>, vector<128x128xf32>, vector<512x128xf32> -> vector<512x128xf32>
    %get3A_39 = arith.constant 0 : index
    %get3A_40 = arith.constant 0 : index
    %get3A_41 = vector.load %arg8[%get3A_39, %get3A_40] : memref<128x128xf32, #tpu.memory_space<vmem>>, vector<128x128xf32>
    %dot_general3A_42 = arith.constant dense<0.000000e+00> : vector<512x128xf32>
    %dot_general3A_43 = tpu.matmul %max3A_34, %get3A_41, %dot_general3A_42 {dimension_numbers = #tpu.dot_dimension_numbers<[1], [0], [0], [1], [0, 0, 1, 1], [], []>, transpose_lhs_hint = false} : vector<512x128xf32>, vector<128x128xf32>, vector<512x128xf32> -> vector<512x128xf32>
    %add3A_44 = arith.addf %dot_general3A_38, %dot_general3A_43 : vector<512x128xf32>
    %mul3A_45 = vector.broadcast %rsqrt3A : vector<512x1xf32> to vector<512x128xf32>
    %mul3A_46 = arith.mulf %mul3A_45, %add3A_44 : vector<512x128xf32>
    %swap3A = arith.constant 0 : index
    %swap3A_47 = arith.constant 0 : index
    %swap3A_48 = vector.load %arg9[%swap3A, %swap3A_47] : memref<512x128xf32, #tpu.memory_space<vmem>>, vector<512x128xf32>
    tpu.vector_store %arg9[%swap3A, %swap3A_47], %mul3A_46 {strides = array<i32>} : memref<512x128xf32, #tpu.memory_space<vmem>>, vector<512x128xf32>,
    return
  }
  func.func @transform_0(%arg0: i32, %arg1: i32) -> (i32, i32) {
    %c0_i32 = arith.constant 0 : i32
    %c0_i32_0 = arith.constant 0 : i32
    return %arg1, %c0_i32 : i32, i32
  }
  func.func @transform_1(%arg0: i32, %arg1: i32) -> (i32, i32) {
    %c0_i32 = arith.constant 0 : i32
    %c0_i32_0 = arith.constant 0 : i32
    return %arg1, %c0_i32 : i32, i32
  }
  func.func @transform_2(%arg0: i32, %arg1: i32) -> (i32, i32) {
    %c0_i32 = arith.constant 0 : i32
    %c0_i32_0 = arith.constant 0 : i32
    return %arg1, %c0_i32 : i32, i32
  }
  func.func @transform_3(%arg0: i32, %arg1: i32) -> (i32, i32) {
    %c0_i32 = arith.constant 0 : i32
    %c0_i32_0 = arith.constant 0 : i32
    return %arg1, %c0_i32 : i32, i32
  }
  func.func @transform_4(%arg0: i32, %arg1: i32) -> (i32, i32) {
    %c0_i32 = arith.constant 0 : i32
    %c0_i32_0 = arith.constant 0 : i32
    %c0_i32_1 = arith.constant 0 : i32
    return %c0_i32, %c0_i32_0 : i32, i32
  }
  func.func @transform_5(%arg0: i32, %arg1: i32) -> (i32, i32) {
    %c0_i32 = arith.constant 0 : i32
    %c0_i32_0 = arith.constant 0 : i32
    return %c0_i32, %arg0 : i32, i32
  }
  func.func @transform_6(%arg0: i32, %arg1: i32) -> (i32, i32) {
    %c1_i32 = arith.constant 1 : i32
    %c0_i32 = arith.constant 0 : i32
    return %c1_i32, %arg0 : i32, i32
  }
  func.func @transform_7(%arg0: i32, %arg1: i32) -> (i32, i32) {
    %mul3A = arith.constant 20 : i32
    %mul3A_0 = arith.muli %arg0, %mul3A : i32
    %add3A = arith.addi %mul3A_0, %arg1 : i32
    %c0_i32 = arith.constant 0 : i32
    %c0_i32_1 = arith.constant 0 : i32
    return %add3A, %c0_i32 : i32, i32
  }
}

module attributes {stable_mosaic.version = 14 : i64} {
  func.func @_final_body(%arg0: i32, %arg1: memref<512x128xf32, #tpu.memory_space<vmem>>, %arg2: memref<512x128xf32, #tpu.memory_space<vmem>>, %arg3: memref<512x128xf32, #tpu.memory_space<vmem>>, %arg4: memref<512x128xf32, #tpu.memory_space<vmem>>, %arg5: memref<2x128xf32, #tpu.memory_space<vmem>>, %arg6: memref<1x1x512xi32, #tpu.memory_space<vmem>>, %arg7: memref<256x128xf32, #tpu.memory_space<vmem>>, %arg8: memref<1x128xf32, #tpu.memory_space<vmem>>, %arg9: memref<64x128xf32, #tpu.memory_space<vmem>>, %arg10: memref<64x256xf32, #tpu.memory_space<vmem>>, %arg11: memref<64x128xf32, #tpu.memory_space<vmem>>) attributes {dimension_semantics = [#tpu.dimension_semantics<arbitrary>], iteration_bounds = array<i64: 20>, scalar_prefetch = 0 : i64, scratch_operands = 2 : i64, tpu.core_type = #tpu.core_type<tc>, window_params = [{transform_indices = @transform_0, window_bounds = array<i64: 512, 128>}, {transform_indices = @transform_1, window_bounds = array<i64: 512, 128>}, {transform_indices = @transform_2, window_bounds = array<i64: 512, 128>}, {transform_indices = @transform_3, window_bounds = array<i64: 512, 128>}, {pipeline_mode = #tpu.pipeline_mode<synchronous>, transform_indices = @transform_4, window_bounds = array<i64: 2, 128>}, {transform_indices = @transform_5, window_bounds = array<i64: 1, 1, 512>}, {pipeline_mode = #tpu.pipeline_mode<synchronous>, transform_indices = @transform_6, window_bounds = array<i64: 256, 128>}, {pipeline_mode = #tpu.pipeline_mode<synchronous>, transform_indices = @transform_7, window_bounds = array<i64: 1, 128>}, {pipeline_mode = #tpu.pipeline_mode<synchronous>, transform_indices = @transform_8, window_bounds = array<i64: 64, 128>}]} {
    %eq3A = arith.constant 0 : i32
    %eq3A_0 = arith.cmpi eq, %arg0, %eq3A : i32
    %convert_element_type3A = arith.extui %eq3A_0 : i1 to i32
    %cond3A = arith.constant 0 : i32
    %cond3A_1 = arith.cmpi ne, %convert_element_type3A, %cond3A : i32
    scf.if %cond3A_1 {
      %broadcast_in_dim3A_67 = arith.constant 0.000000e+00 : f32
      %broadcast_in_dim3A_68 = vector.broadcast %broadcast_in_dim3A_67 : f32 to vector<64x256xf32>
      %swap3A_69 = arith.constant 0 : index
      %swap3A_70 = arith.constant 0 : index
      %swap3A_71 = vector.load %arg10[%swap3A_69, %swap3A_70] : memref<64x256xf32, #tpu.memory_space<vmem>>, vector<64x256xf32>
      tpu.vector_store %arg10[%swap3A_69, %swap3A_70], %broadcast_in_dim3A_68 {strides = array<i32>} : memref<64x256xf32, #tpu.memory_space<vmem>>, vector<64x256xf32>,
      %broadcast_in_dim3A_72 = arith.constant 0.000000e+00 : f32
      %broadcast_in_dim3A_73 = vector.broadcast %broadcast_in_dim3A_72 : f32 to vector<64x128xf32>
      %swap3A_74 = arith.constant 0 : index
      %swap3A_75 = arith.constant 0 : index
      %swap3A_76 = vector.load %arg11[%swap3A_74, %swap3A_75] : memref<64x128xf32, #tpu.memory_space<vmem>>, vector<64x128xf32>
      tpu.vector_store %arg11[%swap3A_74, %swap3A_75], %broadcast_in_dim3A_73 {strides = array<i32>} : memref<64x128xf32, #tpu.memory_space<vmem>>, vector<64x128xf32>,
    } else {
    }
    %get3A = arith.constant 0 : index
    %get3A_2 = arith.constant 0 : index
    %get3A_3 = vector.load %arg3[%get3A, %get3A_2] : memref<512x128xf32, #tpu.memory_space<vmem>>, vector<512x128xf32>
    %get3A_4 = arith.constant 0 : index
    %get3A_5 = arith.constant 0 : index
    %get3A_6 = vector.load %arg4[%get3A_4, %get3A_5] : memref<512x128xf32, #tpu.memory_space<vmem>>, vector<512x128xf32>
    %slice3A = vector.extract_strided_slice %get3A_3 {offsets = [0, 0], sizes = [512, 1], strides = [1, 1]} : vector<512x128xf32> to vector<512x1xf32>
    %slice3A_7 = vector.extract_strided_slice %get3A_6 {offsets = [0, 0], sizes = [512, 1], strides = [1, 1]} : vector<512x128xf32> to vector<512x1xf32>
    %add3A = arith.addf %slice3A, %slice3A_7 : vector<512x1xf32>
    %add3A_8 = arith.constant 1.000000e+00 : f32
    %add3A_9 = vector.broadcast %add3A_8 : f32 to vector<512x1xf32>
    %add3A_10 = arith.addf %add3A, %add3A_9 : vector<512x1xf32>
    %max3A = arith.constant 1.000000e+00 : f32
    %max3A_11 = vector.broadcast %max3A : f32 to vector<512x1xf32>
    %max3A_12 = arith.maximumf %add3A_10, %max3A_11 : vector<512x1xf32>
    %rsqrt3A = math.rsqrt %max3A_12 : vector<512x1xf32>
    %get3A_13 = arith.constant 0 : index
    %get3A_14 = arith.constant 0 : index
    %get3A_15 = vector.load %arg5[%get3A_13, %get3A_14] : memref<2x128xf32, #tpu.memory_space<vmem>>, vector<2x128xf32>
    %get3A_16 = arith.constant 0 : index
    %get3A_17 = arith.constant 0 : index
    %get3A_18 = vector.load %arg1[%get3A_16, %get3A_17] : memref<512x128xf32, #tpu.memory_space<vmem>>, vector<512x128xf32>
    %mul3A = vector.broadcast %rsqrt3A : vector<512x1xf32> to vector<512x128xf32>
    %mul3A_19 = arith.mulf %mul3A, %get3A_18 : vector<512x128xf32>
    %slice3A_20 = vector.extract_strided_slice %get3A_15 {offsets = [0, 0], sizes = [1, 128], strides = [1, 1]} : vector<2x128xf32> to vector<1x128xf32>
    %add3A_21 = vector.broadcast %slice3A_20 : vector<1x128xf32> to vector<512x128xf32>
    %add3A_22 = arith.addf %mul3A_19, %add3A_21 : vector<512x128xf32>
    %max3A_23 = arith.constant 0.000000e+00 : f32
    %max3A_24 = vector.broadcast %max3A_23 : f32 to vector<512x128xf32>
    %max3A_25 = arith.maximumf %add3A_22, %max3A_24 : vector<512x128xf32>
    %get3A_26 = arith.constant 0 : index
    %get3A_27 = arith.constant 0 : index
    %get3A_28 = vector.load %arg2[%get3A_26, %get3A_27] : memref<512x128xf32, #tpu.memory_space<vmem>>, vector<512x128xf32>
    %mul3A_29 = vector.broadcast %rsqrt3A : vector<512x1xf32> to vector<512x128xf32>
    %mul3A_30 = arith.mulf %mul3A_29, %get3A_28 : vector<512x128xf32>
    %slice3A_31 = vector.extract_strided_slice %get3A_15 {offsets = [1, 0], sizes = [1, 128], strides = [1, 1]} : vector<2x128xf32> to vector<1x128xf32>
    %add3A_32 = vector.broadcast %slice3A_31 : vector<1x128xf32> to vector<512x128xf32>
    %add3A_33 = arith.addf %mul3A_30, %add3A_32 : vector<512x128xf32>
    %max3A_34 = arith.constant 0.000000e+00 : f32
    %max3A_35 = vector.broadcast %max3A_34 : f32 to vector<512x128xf32>
    %max3A_36 = arith.maximumf %add3A_33, %max3A_35 : vector<512x128xf32>
    %concatenate3A = tpu.concatenate %max3A_25, %max3A_36 in 1 : vector<512x128xf32>, vector<512x128xf32> -> vector<512x256xf32>
    %get3A_37 = arith.constant 0 : index
    %get3A_38 = arith.constant 0 : index
    %get3A_39 = arith.constant 0 : index
    %get3A_40 = vector.load %arg6[%get3A_37, %get3A_38, %get3A_39] : memref<1x1x512xi32, #tpu.memory_space<vmem>>, vector<1x1x512xi32>
    %squeeze3A = vector.shape_cast %get3A_40 : vector<1x1x512xi32> to vector<1x512xi32>
    %iota3A = tpu.iota {dimensions = array<i32: 0>} : vector<64x512xi32>
    %eq3A_41 = vector.broadcast %squeeze3A : vector<1x512xi32> to vector<64x512xi32>
    %eq3A_42 = arith.cmpi eq, %iota3A, %eq3A_41 : vector<64x512xi32>
    %convert_element_type3A_43 = arith.extui %eq3A_42 : vector<64x512xi1> to vector<64x512xi32>
    %convert_element_type3A_44 = arith.sitofp %convert_element_type3A_43 : vector<64x512xi32> to vector<64x512xf32>
    %get3A_45 = arith.constant 0 : index
    %get3A_46 = arith.constant 0 : index
    %get3A_47 = vector.load %arg10[%get3A_45, %get3A_46] : memref<64x256xf32, #tpu.memory_space<vmem>>, vector<64x256xf32>
    %dot_general3A = arith.constant dense<0.000000e+00> : vector<64x256xf32>
    %dot_general3A_48 = tpu.matmul %convert_element_type3A_44, %concatenate3A, %dot_general3A {dimension_numbers = #tpu.dot_dimension_numbers<[1], [0], [0], [1], [0, 0, 1, 1], [], []>, transpose_lhs_hint = false} : vector<64x512xf32>, vector<512x256xf32>, vector<64x256xf32> -> vector<64x256xf32>
    %add3A_49 = arith.addf %get3A_47, %dot_general3A_48 : vector<64x256xf32>
    %swap3A = arith.constant 0 : index
    %swap3A_50 = arith.constant 0 : index
    %swap3A_51 = vector.load %arg10[%swap3A, %swap3A_50] : memref<64x256xf32, #tpu.memory_space<vmem>>, vector<64x256xf32>
    tpu.vector_store %arg10[%swap3A, %swap3A_50], %add3A_49 {strides = array<i32>} : memref<64x256xf32, #tpu.memory_space<vmem>>, vector<64x256xf32>,
    %get3A_52 = arith.constant 0 : index
    %get3A_53 = arith.constant 0 : index
    %get3A_54 = vector.load %arg11[%get3A_52, %get3A_53] : memref<64x128xf32, #tpu.memory_space<vmem>>, vector<64x128xf32>
    %reduce_sum3A = arith.constant dense<0.000000e+00> : vector<64xf32>
    %reduce_sum3A_55 = vector.multi_reduction <add>, %convert_element_type3A_44, %reduce_sum3A [1] : vector<64x512xf32> to vector<64xf32>
    %broadcast_in_dim3A = vector.shape_cast %reduce_sum3A_55 : vector<64xf32> to vector<64x1xf32>
    %broadcast_in_dim3A_56 = vector.shape_cast %broadcast_in_dim3A : vector<64x1xf32> to vector<64x1xf32>
    %broadcast_in_dim3A_57 = vector.broadcast %broadcast_in_dim3A_56 : vector<64x1xf32> to vector<64x128xf32>
    %add3A_58 = arith.addf %get3A_54, %broadcast_in_dim3A_57 : vector<64x128xf32>
    %swap3A_59 = arith.constant 0 : index
    %swap3A_60 = arith.constant 0 : index
    %swap3A_61 = vector.load %arg11[%swap3A_59, %swap3A_60] : memref<64x128xf32, #tpu.memory_space<vmem>>, vector<64x128xf32>
    tpu.vector_store %arg11[%swap3A_59, %swap3A_60], %add3A_58 {strides = array<i32>} : memref<64x128xf32, #tpu.memory_space<vmem>>, vector<64x128xf32>,
    %eq3A_62 = arith.constant 19 : i32
    %eq3A_63 = arith.cmpi eq, %arg0, %eq3A_62 : i32
    %convert_element_type3A_64 = arith.extui %eq3A_63 : i1 to i32
    %cond3A_65 = arith.constant 0 : i32
    %cond3A_66 = arith.cmpi ne, %convert_element_type3A_64, %cond3A_65 : i32
    scf.if %cond3A_66 {
      %get3A_67 = arith.constant 0 : index
      %get3A_68 = arith.constant 0 : index
      %get3A_69 = vector.load %arg10[%get3A_67, %get3A_68] : memref<64x256xf32, #tpu.memory_space<vmem>>, vector<64x256xf32>
      %get3A_70 = arith.constant 0 : index
      %get3A_71 = arith.constant 0 : index
      %get3A_72 = vector.load %arg11[%get3A_70, %get3A_71] : memref<64x128xf32, #tpu.memory_space<vmem>>, vector<64x1xf32>
      %max3A_73 = arith.constant 1.000000e+00 : f32
      %max3A_74 = vector.broadcast %max3A_73 : f32 to vector<64x1xf32>
      %max3A_75 = arith.maximumf %get3A_72, %max3A_74 : vector<64x1xf32>
      %div3A = vector.broadcast %max3A_75 : vector<64x1xf32> to vector<64x256xf32>
      %div3A_76 = arith.divf %get3A_69, %div3A : vector<64x256xf32>
      %get3A_77 = arith.constant 0 : index
      %get3A_78 = arith.constant 0 : index
      %get3A_79 = vector.load %arg7[%get3A_77, %get3A_78] : memref<256x128xf32, #tpu.memory_space<vmem>>, vector<256x128xf32>
      %dot_general3A_80 = arith.constant dense<0.000000e+00> : vector<64x128xf32>
      %dot_general3A_81 = tpu.matmul %div3A_76, %get3A_79, %dot_general3A_80 {dimension_numbers = #tpu.dot_dimension_numbers<[1], [0], [0], [1], [0, 0, 1, 1], [], []>, transpose_lhs_hint = false} : vector<64x256xf32>, vector<256x128xf32>, vector<64x128xf32> -> vector<64x128xf32>
      %get3A_82 = arith.constant 0 : index
      %get3A_83 = arith.constant 0 : index
      %get3A_84 = vector.load %arg8[%get3A_82, %get3A_83] : memref<1x128xf32, #tpu.memory_space<vmem>>, vector<1x128xf32>
      %add3A_85 = vector.broadcast %get3A_84 : vector<1x128xf32> to vector<64x128xf32>
      %add3A_86 = arith.addf %dot_general3A_81, %add3A_85 : vector<64x128xf32>
      %swap3A_87 = arith.constant 0 : index
      %swap3A_88 = arith.constant 0 : index
      %swap3A_89 = vector.load %arg9[%swap3A_87, %swap3A_88] : memref<64x128xf32, #tpu.memory_space<vmem>>, vector<64x128xf32>
      tpu.vector_store %arg9[%swap3A_87, %swap3A_88], %add3A_86 {strides = array<i32>} : memref<64x128xf32, #tpu.memory_space<vmem>>, vector<64x128xf32>,
    } else {
    }
    return
  }
  func.func @transform_0(%arg0: i32) -> (i32, i32) {
    %c0_i32 = arith.constant 0 : i32
    %c0_i32_0 = arith.constant 0 : i32
    return %arg0, %c0_i32 : i32, i32
  }
  func.func @transform_1(%arg0: i32) -> (i32, i32) {
    %c0_i32 = arith.constant 0 : i32
    %c0_i32_0 = arith.constant 0 : i32
    return %arg0, %c0_i32 : i32, i32
  }
  func.func @transform_2(%arg0: i32) -> (i32, i32) {
    %c0_i32 = arith.constant 0 : i32
    %c0_i32_0 = arith.constant 0 : i32
    return %arg0, %c0_i32 : i32, i32
  }
  func.func @transform_3(%arg0: i32) -> (i32, i32) {
    %c0_i32 = arith.constant 0 : i32
    %c0_i32_0 = arith.constant 0 : i32
    return %arg0, %c0_i32 : i32, i32
  }
  func.func @transform_4(%arg0: i32) -> (i32, i32) {
    %c0_i32 = arith.constant 0 : i32
    %c0_i32_0 = arith.constant 0 : i32
    %c0_i32_1 = arith.constant 0 : i32
    return %c0_i32, %c0_i32_0 : i32, i32
  }
  func.func @transform_5(%arg0: i32) -> (i32, i32, i32) {
    %c0_i32 = arith.constant 0 : i32
    %c0_i32_0 = arith.constant 0 : i32
    %c0_i32_1 = arith.constant 0 : i32
    return %arg0, %c0_i32, %c0_i32_0 : i32, i32, i32
  }
  func.func @transform_6(%arg0: i32) -> (i32, i32) {
    %c0_i32 = arith.constant 0 : i32
    %c0_i32_0 = arith.constant 0 : i32
    %c0_i32_1 = arith.constant 0 : i32
    return %c0_i32, %c0_i32_0 : i32, i32
  }
  func.func @transform_7(%arg0: i32) -> (i32, i32) {
    %c0_i32 = arith.constant 0 : i32
    %c0_i32_0 = arith.constant 0 : i32
    %c0_i32_1 = arith.constant 0 : i32
    return %c0_i32, %c0_i32_0 : i32, i32
  }
  func.func @transform_8(%arg0: i32) -> (i32, i32) {
    %c0_i32 = arith.constant 0 : i32
    %c0_i32_0 = arith.constant 0 : i32
    %c0_i32_1 = arith.constant 0 : i32
    return %c0_i32, %c0_i32_0 : i32, i32
  }
}

</mosaic_0001>

<sc_bundles>
// kernel: kernel.11.cloned.1.call-start
scs
__scs_entry_jumppad:
0x0: {  	(pc) =	sbr.rel $0x88, $3  }
0x1: {  	(tag) =	ssettag $0x0;
	lr =	simm.s32 $0x1  }
0x2: {  	[smem:$0x3F98] =	sst lr;
	_ =	strace $0xD0000000  }
0x3: {  	_ = 	snop  }
0x4: {  	_ = 	snop  }
0x5: {  	_ = 	snop  }
0x6: {  	_ = 	snop  }
0x7: {  	_ = 	snop  }
__scs_overlays_trampoline_lowered:
0x8: {  	[smem:$0x3FA7] =	sst s0  }
0x9: {  	[smem:$0x3FA8] =	sst s1  }
0xa: {  	[smem:$0x3FA9] =	sst s2  }
0xb: {  	[smem:$0x3FAA] =	sst s3  }
0xc: {  	[smem:$0x3FAB] =	sst s4  }
0xd: {  	[smem:$0x3FAC] =	sst s5  }
0xe: {  	[smem:$0x3FAD] =	sst s6  }
0xf: {  	[smem:$0x3FAE] =	sst s7  }
0x10: {  	[smem:$0x3FAF] =	sst s8  }
0x11: {  	[smem:$0x3FB0] =	sst s9;
	s0 =	simm.s32 @!p0 $0x0  }
0x12: {  	s1 =	sld [smem:$0x3F96];
	s0 =	simm.s32 @p0 $0x1  }
0x13: {  	[smem:$0x3FB1] =	sst s0;
	s0 =	simm.s32 @!p1 $0x0  }
0x14: {  	s2 =	sld [smem:$0x3F95];
	s0 =	simm.s32 @p1 $0x1  }
0x15: {  	[smem:$0x3FB2] =	sst s0;
	s0 =	simm.s32 @!p2 $0x0  }
0x16: {  	s3 =	sld [smem:$0x3FDB];
	s0 =	simm.s32 @p2 $0x1  }
0x17: {  	s4 =	simm.s32 $0x1BF5;
	[smem:$0x3FB4] =	sst s0  }
0x18: {  	s0 =	sld [smem:$0x3F97];
	_ =	swait.ge [sflag:s4], $0x0  }
0x19: {  	s7 =	sld [smem:$0x3F98]  }
0x1a: {  	s8 =	sadd.s32 $0xFFFFE003, lr  }
0x1b: {  	s9 =	sadd.s32 $0xFFFFFEF7, lr;
	s5 =	simm.s32 $0xFFFFFFFF;
	p2 =	slt.u32 s8, $0xFFFFF086  }
0x1c: {  	p1 =	slt.u32 s9, $0xF7A;
	s5 =	simm.s32 @!p2 $0x0  }
0x1d: {  	s5 =	simm.s32 @p1 $0x1;
	p0 =	seq.s32 s7, s2  }
0x1e: {  	s7 =	smul.u32 @!p0 $0xF7A, s2;
	p2 =	seq.s32 @!p0 s5, $0x0  }
0x1f: {  	s9 =	smul.u32 $0xF7A, s1;
	s8 =	simm.s32 @!p0 $0x1BF5;
	p2 =	por !p2, p0  }
0x20: {  	[sflag:s8] =	ssyncset.s32 @!p0 $0xFFFFF086;
	s6 =	sadd.s32 @!p0 s3, s7;
	s7 =	simm.s32 @!p0 $0x108  }
0x21: {  	s3 =	sadd.s32 s3, s9;
	s6 =	sadd.s32 @!p0 $0x88, s6;
	s7 =	simm.s32 @p2 $0x1082  }
0x22: {  	[simem:s7], [sflag:s8] =	dma.local @!p0 [hbm:s6], $0xF7A  }
0x23: {  	s9 =	sor.u32 $0xD0000000, s2;
	s6 =	simm.s32 $0x108;
	_ =	swait.ge @!p0 [sflag:s8], $0x0  }
0x24: {  	s3 =	sadd.s32 $0x88, s3;
	s6 =	simm.s32 @!p1 $0x1082;
	[sflag:s4] =	ssyncset.s32 $0xFFFFF086  }
0x25: {  	[simem:s6], [sflag:s4] =	dma.local [hbm:s3], $0xF7A  }
0x26: {  	[smem:$0x3F98] =	sst s1;
	(tag) =	ssettag s2;
	_ =	strace s9  }
0x27: {  	s1 =	sld [smem:$0x3FA8]  }
0x28: {  	s2 =	sld [smem:$0x3FA9]  }
0x29: {  	s4 =	sld [smem:$0x3FAB]  }
0x2a: {  	p0 =	seq.s32 s5, $0x0;
	s5 =	sld [smem:$0x3FAC]  }
0x2b: {  	s6 =	sld [smem:$0x3FAD]  }
0x2c: {  	s7 =	sld [smem:$0x3FAE]  }
0x2d: {  	s3 =	simm.s32 $0x108;
	s8 =	sld [smem:$0x3FAF]  }
0x2e: {  	s3 =	simm.s32 @!p0 $0x1082;
	s9 =	sld [smem:$0x3FB0]  }
0x2f: {  	lr =	sadd.s32 s0, s3;
	s0 =	sld [smem:$0x3FA7]  }
0x30: {  	s3 =	sld [smem:$0x3FAA]  }
0x31: {  	[smem:$0x3FB3] =	sst s10  }
0x32: {  	s10 =	sld [smem:$0x3FB1];
	_ =	sdelay $0x3  }
0x33: {  	p0 =	seq.s32 s10, $0x1;
	s10 =	sld [smem:$0x3FB3];
	_ =	sdelay $0x3  }
0x34: {  	[smem:$0x3FB3] =	sst s10  }
0x35: {  	s10 =	sld [smem:$0x3FB2];
	_ =	sdelay $0x3  }
0x36: {  	p1 =	seq.s32 s10, $0x1;
	s10 =	sld [smem:$0x3FB3];
	_ =	sdelay $0x3  }
0x37: {  	[smem:$0x3FB3] =	sst s10  }
0x38: {  	s10 =	sld [smem:$0x3FB4]  }
0x39: {  	_ = 	snop;
	(pc) =	sbr.ind lr, $3  }
0x3a: {  	_ = 	snop  }
0x3b: {  	_ = 	snop  }
0x3c: {  	p2 =	seq.s32 s10, $0x1;
	s10 =	sld [smem:$0x3FB3]  }
0x3d: {  	_ =	shalt  }
0x3e: {  	_ =	shalt  }
0x3f: {  	_ =	shalt  }
0x40: {  	_ =	shalt  }
0x41: {  	_ =	shalt  }
0x42: {  	_ =	shalt  }
0x43: {  	_ =	shalt  }
0x44: {  	_ =	shalt  }
0x45: {  	_ =	shalt  }
0x46: {  	_ =	shalt  }
0x47: {  	_ =	shalt  }
0x48: {  	_ =	shalt  }
0x49: {  	_ =	shalt  }
0x4a: {  	_ =	shalt  }
0x4b: {  	_ =	shalt  }
0x4c: {  	_ =	shalt  }
0x4d: {  	_ =	shalt  }
0x4e: {  	_ =	shalt  }
0x4f: {  	_ =	shalt  }
0x50: {  	_ =	shalt  }
0x51: {  	_ =	shalt  }
0x52: {  	_ =	shalt  }
0x53: {  	_ =	shalt  }
0x54: {  	_ =	shalt  }
0x55: {  	_ =	shalt  }
0x56: {  	_ =	shalt  }
0x57: {  	_ =	shalt  }
0x58: {  	_ =	shalt  }
0x59: {  	_ =	shalt  }
0x5a: {  	_ =	shalt  }
0x5b: {  	_ =	shalt  }
0x5c: {  	_ =	shalt  }
0x5d: {  	_ =	shalt  }
0x5e: {  	_ =	shalt  }
0x5f: {  	_ =	shalt  }
0x60: {  	_ =	shalt  }
0x61: {  	_ =	shalt  }
0x62: {  	_ =	shalt  }
0x63: {  	_ =	shalt  }
0x64: {  	_ =	shalt  }
0x65: {  	_ =	shalt  }
0x66: {  	_ =	shalt  }
0x67: {  	_ =	shalt  }
0x68: {  	_ =	shalt  }
0x69: {  	_ =	shalt  }
0x6a: {  	_ =	shalt  }
0x6b: {  	_ =	shalt  }
0x6c: {  	_ =	shalt  }
0x6d: {  	_ =	shalt  }
0x6e: {  	_ =	shalt  }
0x6f: {  	_ =	shalt  }
0x70: {  	_ =	shalt  }
0x71: {  	_ =	shalt  }
0x72: {  	_ =	shalt  }
0x73: {  	_ =	shalt  }
0x74: {  	_ =	shalt  }
0x75: {  	_ =	shalt  }
0x76: {  	_ =	shalt  }
0x77: {  	_ =	shalt  }
0x78: {  	_ =	shalt  }
0x79: {  	_ =	shalt  }
0x7a: {  	_ =	shalt  }
0x7b: {  	_ =	shalt  }
0x7c: {  	_ =	shalt  }
0x7d: {  	_ =	shalt  }
0x7e: {  	_ =	shalt  }
0x7f: {  	_ =	shalt  }
0x80: {  	_ =	shalt  }
0x81: {  	_ =	shalt  }
0x82: {  	_ =	shalt  }
0x83: {  	_ =	shalt  }
0x84: {  	_ =	shalt  }
0x85: {  	_ =	shalt  }
0x86: {  	_ =	shalt  }
0x87: {  	_ =	shalt  }
.Lfunc_end0:
.L_simem_size_0:
called_computation.1_lowered:
.L_overlay_start_0:
0x88: {  	s2 =	sld [smem:$0x3FD9]  }
0x89: {  	s3 =	sld [smem:$0x3FFE];
	_ =	sdelay $0x1  }
0x8a: {  	s1 =	srdreg.scid  }
0x8b: {  	s0 =	sand.u32 $0x1, s1  }
0x8c: {  	s16 =	sshll.u32 s0, $0xA;
	s2 =	sadd.s32 s3, s2  }
0x8d: {  	s2 =	sadd.s32 s2, s16  }
0x8e: {  	[smem:$0x3FBF] =	sst s2  }
0x8f: {  	_ = 	snop  }
0x90: {  	(tm) =	ssettm $0x1  }
0x91: {  	s17 =	sld [smem:$0x3FFB];
	_ =	sdelay $0x3  }
0x92: {  	_ =	strace s17  }
0x93: {  	s2 =	sld [smem:$0x3FFC];
	_ =	sdelay $0x3  }
0x94: {  	_ =	strace s2  }
0x95: {  	s2 =	sld [smem:$0x3FFD];
	_ =	sdelay $0x3  }
0x96: {  	_ =	strace s2  }
0x97: {  	_ =	strace $0x8FFFFFFF  }
0x98: {  	s18 =	sld [smem:$0x3FDB];
	_ =	sdelay $0x1  }
0x99: {  	s19 =	simm.s32 $_scs_section_size  }
0x9a: {  	s4 =	simm.s32 $_size__tile_overlayer_lowered;
	s5 =	simm.s32 $_tile_overlayer_lowered  }
0x9b: {  	s22 =	simm.s32 $0x1BFF;
	s21 =	sshll.u32 s5, $0x1;
	s2 =	sadd.s32 s19, s18  }
0x9c: {  	s6 =	simm.s32 $0x0;
	s20 =	sshll.u32 s4, $0x1;
	s4 =	sadd.s32 s21, s2  }
0x9d: {  	[timem:s6], [sflag:s22] =	dma.local [hbm:s4], s20  }
0x9e: {  	_ =	swait.ge [sflag:s22], s20  }
0x9f: {  	s3 =	ssub.s32 $0x0, s20;
	[sflag:s22] =	ssyncset.done $0x0  }
0xa0: {  	[sflag:s22] =	ssyncadd.s32 s3;
	_ =	sdelay $0x1  }
0xa1: {  	s23 =	simm.s32 $0x1B8B  }
0xa2: {  	_ =	swait.ge [sflag:s23], $0x1  }
0xa3: {  	[sflag:s23] =	ssyncset.done $0x0  }
0xa4: {  	s25 =	simm.s32 $0x1B8E;
	s24 =	sld [smem:$0x3FFE];
	[sflag:s23] =	ssyncadd.s32 $0xFFFFFFFF  }
0xa5: {  	s26 =	simm.s32 $execute0_lowered;
	[smem:$0x3FD2] =	sst s25  }
0xa6: {  	s4 =	sshll.u32 s26, $0x1;
	_ =	strace $0x80000049;
	[dreg:$0x1] =	wrdreg $0xFFFFFFFF  }
0xa7: {  	s28 =	simm.s32 $_size_execute0_lowered;
	s2 =	sadd.s32 s2, s4;
	[dreg:$0x0] =	wrdreg $0x0  }
0xa8: {  	s4 =	sshll.u32 s28, $0x1;
	[dreg:$0x2] =	wrdreg s2  }
0xa9: {  	[dreg:$0x3] =	wrdreg s4  }
0xaa: {  	[dreg:$0x4] =	wrdreg $0xC0  }
0xab: {  	_ =	task [dreg:s6], $0x5FFFF  }
0xac: {  	[dreg:$0x1] =	wrdreg $0xFFFFFFFF  }
0xad: {  	[dreg:$0x0] =	wrdreg $0x60  }
0xae: {  	[dreg:$0x2] =	wrdreg s24  }
0xaf: {  	[dreg:$0x3] =	wrdreg $0x0  }
0xb0: {  	[dreg:$0x4] =	wrdreg $0x9  }
0xb1: {  	_ =	task.clear_ibuf [dreg:s6], $0x5FFFF;
	_ =	strace $0x90000049  }
0xb2: {  	s29 =	simm.s32 $0x9;
	_ =	strace $0x8000004B  }
0xb3: {  	_ =	swait.ge [sflag:s29], $0x1  }
0xb4: {  	[sflag:s29] =	ssyncadd.s32 $0xFFFFFFFF  }
0xb5: {  	_ =	strace $0x9000004B  }
0xb6: {  	_ =	sfence  }
0xb7: {  	s30 =	sld [smem:$0x0];
	_ =	sdelay $0x2  }
0xb8: {  	s31 =	sshll.u32 s1, $0xD;
	s1 =	sshrl.u32 s1, $0x2  }
0xb9: {  	s3 =	sand.u32 $0x4000, s31;
	s1 =	sadd.s32 s1, s30  }
0xba: {  	s0 =	sor.u32 s3, s0;
	s1 =	sshll.u32 s1, $0x11  }
0xbb: {  	s0 =	sor.u32 s1, s0  }
0xbc: {  	s0 =	sadd.s32 $0x8F2B, s0  }
0xbd: {  	[sflag:s0] =	ssyncadd.remote.s32 $0x1  }
0xbe: {  	_ =	sfence.sel $0xFFFF  }
0xbf: {  	[dreg:$0x0] =	wrdreg $0xFFFFFFFF;
	(pc) =	sbr.abs _section_cstart, $3  }
0xc0: {  	[dreg:$0x1] =	wrdreg $0xFFFFFFFF  }
0xc1: {  	_ =	task.clear_ibuf [dreg:s6], $0x2FFFF;
	_ =	strace $0x9FFFFFFF  }
0xc2: {  	(tm) =	ssettm $0x7FFFFFFF  }
0xc3: {  	_ =	shalt  }
tec
execute0_lowered:
.L_overlay_start_1:
0x0: {  	(tag) =	ssettag $0x1  }
0x1: {  	s0 =	rddreg [dreg:$0x0]  }
0x2: {  	s1 =	rddreg [dreg:$0x1];
	s2 =	srdreg.scid;
	s3 =	simm.s32 $0x0  }
0x3: {  	s11 =	stileid.u32;
	s12 =	simm.s32 $0x14000;
	s13 =	simm.s32 $0x14400  }
0x4: {  	s14 =	simm.s32 $0x80;
	s15 =	simm.s32 $0x14800;
	s16 =	simm.s32 $0x14080  }
0x5: {  	s17 =	simm.s32 $0x18800;
	s18 =	simm.s32 $0x1;
	s19 =	simm.s32 $0x14100  }
0x6: {  	s20 =	simm.s32 $0x2;
	s21 =	simm.s32 $0x14480;
	s22 =	simm.s32 $0x14180  }
0x7: {  	s28 =	simm.s32 $0x14600;
	s29 =	simm.s32 $0x14300;
	s30 =	simm.s32 $0x14680  }
0x8: {  	s31 =	simm.s32 $0x14380;
	s2 =	sand.u32 $0x1, s2;
	s6 =	smul.u32 $0x280, s11  }
0x9: {  	[smem:$0x7FF] =	sst s3;
	s7 =	smul.u32 $0x500, s11;
	s4 =	sadd.s32 $0x7600, s0  }
0xa: {  	s23 =	smul.u32 $0x50000, s11;
	s24 =	sshll.u32 s11, $0x6;
	s11 =	simm.s32 $0x3  }
0xb: {  	s5 =	smul.u32 $0x2800, s2;
	_ =	strace $0x8000004A;
	s8 =	ssub.s32 $0x2, s2  }
0xc: {  	s2 =	smul.u32 $0x5000, s2;
	s7 =	sadd.s32 s7, s0;
	s9 =	sshrl.u32 s8, $0x1  }
0xd: {  	s5 =	sadd.s32 s6, s5;
	s6 =	sshrl.u32 s23, $0x2;
	s8 =	ssub.s32 s8, s9  }
0xe: {  	s2 =	sadd.s32 s2, s7;
	s9 =	sadd.s32 $0x2600, s7;
	s23 =	simm.s32 $0x14500  }
0xf: {  	s5 =	sshll.u32 s5, $0x4;
	s10 =	sadd.s32 s6, s1;
	s26 =	smax.u32 s8, $0x1  }
0x10: {  	s25 =	sadd.s32 $0xAA600, s2;
	s2 =	simm.s32 $0x14780;
	[dreg:$0x6] =	wrdreg s26  }
0x11: {  	s0 =	sadd.s32 s5, s0;
	s5 =	sadd.s32 s4, s5;
	[dreg:$0x3] =	wrdreg s25  }
0x12: {  	s8 =	sshrl.u32 s10, $0x3;
	s25 =	simm.s32 $0x14580;
	[dreg:$0x4] =	wrdreg s5  }
0x13: {  	s26 =	simm.s32 $0x14280;
	s0 =	sadd.s32 $0x57600, s0;
	[dreg:$0x7] =	wrdreg s8  }
0x14: {  	s5 =	sor.u32 $0x1C03, s24;
	s24 =	simm.s32 $0x14200;
	[dreg:$0x5] =	wrdreg s0  }
0x15: {  	s7 =	smov.u32 s5;
	s0 =	simm.s32 $0x14700;
	s5 =	simm.s32 $0x0  }
.LBB2_1:
0x16: {  	s6 =	rddreg [dreg:$0x4]  }
0x17: {  	[spmem:s8], [sflag:s7] =	dma.local [hbm:s6], $0x2800  }
0x18: {  	_ =	swait.ge [sflag:s11], $0x2800  }
0x19: {  	[sflag:s11] =	ssyncset.done $0x0  }
0x1a: {  	[sflag:s11] =	ssyncadd.s32 $0xFFFFD800  }
0x1b: {  	[bflag:$0x0] =	sbarrier.arrive $0xFFFF  }
0x1c: {  	s6 =	rddreg [dreg:$0x3]  }
0x1d: {  	s10 =	smov.u32 s7;
	s7 =	sadd.s32 $0x0, s6  }
0x1e: {  	[tilespmem:s12], [sflag:$0x3] =	stream.linear.gather [hbm4b:s7+s3], $0x400, $0x38;
	[tilespmem:$0x1C800] =	vst v63  }
0x1f: {  	_ =	swait.ge [sflag:s11], $0x400  }
0x20: {  	[sflag:s11] =	ssyncset.done $0x0  }
0x21: {  	s8 =	sadd.s32 $0x0, s9;
	[sflag:s11] =	ssyncadd.s32 $0xFFFFFC00  }
0x22: {  	[tilespmem:s13], [sflag:$0x3] =	stream.linear.gather [hbm4b:s8+s3], $0x400, $0x38;
	[tilespmem:$0x1C800] =	vst v63  }
0x23: {  	_ =	swait.ge [sflag:s11], $0x400  }
0x24: {  	[sflag:s11] =	ssyncset.done $0x0  }
0x25: {  	[sflag:s11] =	ssyncadd.s32 $0xFFFFFC00  }
0x26: {  	[tilespmem:s15], [sflag:$0x1] =	stream.indirect.gather [hbm4b:s4+s14], $0x80, s12, s14, $0xb8;
	[tilespmem:$0x1C800] =	vst v63  }
0x27: {  	_ = 	snop  }
0x28: {  	[tilespmem:s17], [sflag:$0x2] =	stream.indirect.gather [hbm4b:s4+s14], $0x80, s16, s14, $0xb8;
	[tilespmem:$0x1C800] =	vst v63  }
0x29: {  	_ =	swait.ge [sflag:s18], $0x4000  }
0x2a: {  	[sflag:s18] =	ssyncset.done $0x0  }
0x2b: {  	[sflag:s18] =	ssyncadd.s32 $0xFFFFC000  }
0x2c: {  	[spmem:s1] =	stream.indirect.scatter.add.f32 [tilespmem:s15], [sflag:$0x3], $0x80, s13, s14, $0xb8;
	[tilespmem:$0x1C800] =	vst v63  }
0x2d: {  	_ =	swait.ge [sflag:s11], $0x4000  }
0x2e: {  	[sflag:s11] =	ssyncset.done $0x0  }
0x2f: {  	[sflag:s11] =	ssyncadd.s32 $0xFFFFC000  }
0x30: {  	[tilespmem:s15], [sflag:$0x1] =	stream.indirect.gather [hbm4b:s4+s14], $0x80, s19, s14, $0xb8;
	[tilespmem:$0x1C800] =	vst v63  }
0x31: {  	_ =	swait.ge [sflag:s20], $0x4000  }
0x32: {  	[sflag:s20] =	ssyncset.done $0x0  }
0x33: {  	[sflag:s20] =	ssyncadd.s32 $0xFFFFC000  }
0x34: {  	[spmem:s1] =	stream.indirect.scatter.add.f32 [tilespmem:s17], [sflag:$0x3], $0x80, s21, s14, $0xb8;
	[tilespmem:$0x1C800] =	vst v63  }
0x35: {  	_ =	swait.ge [sflag:s11], $0x4000  }
0x36: {  	[sflag:s11] =	ssyncset.done $0x0  }
0x37: {  	[sflag:s11] =	ssyncadd.s32 $0xFFFFC000  }
0x38: {  	[tilespmem:s17], [sflag:$0x2] =	stream.indirect.gather [hbm4b:s4+s14], $0x80, s22, s14, $0xb8;
	[tilespmem:$0x1C800] =	vst v63  }
0x39: {  	_ =	swait.ge [sflag:s18], $0x4000  }
0x3a: {  	[sflag:s18] =	ssyncset.done $0x0  }
0x3b: {  	[sflag:s18] =	ssyncadd.s32 $0xFFFFC000  }
0x3c: {  	[spmem:s1] =	stream.indirect.scatter.add.f32 [tilespmem:s15], [sflag:$0x3], $0x80, s23, s14, $0xb8;
	[tilespmem:$0x1C800] =	vst v63  }
0x3d: {  	_ =	swait.ge [sflag:s11], $0x4000  }
0x3e: {  	[sflag:s11] =	ssyncset.done $0x0  }
0x3f: {  	[sflag:s11] =	ssyncadd.s32 $0xFFFFC000  }
0x40: {  	[tilespmem:s15], [sflag:$0x1] =	stream.indirect.gather [hbm4b:s4+s14], $0x80, s24, s14, $0xb8;
	[tilespmem:$0x1C800] =	vst v63  }
0x41: {  	_ =	swait.ge [sflag:s20], $0x4000  }
0x42: {  	[sflag:s20] =	ssyncset.done $0x0  }
0x43: {  	[sflag:s20] =	ssyncadd.s32 $0xFFFFC000  }
0x44: {  	[spmem:s1] =	stream.indirect.scatter.add.f32 [tilespmem:s17], [sflag:$0x3], $0x80, s25, s14, $0xb8;
	[tilespmem:$0x1C800] =	vst v63  }
0x45: {  	_ =	swait.ge [sflag:s11], $0x4000  }
0x46: {  	[sflag:s11] =	ssyncset.done $0x0  }
0x47: {  	[sflag:s11] =	ssyncadd.s32 $0xFFFFC000  }
0x48: {  	[tilespmem:s17], [sflag:$0x2] =	stream.indirect.gather [hbm4b:s4+s14], $0x80, s26, s14, $0xb8;
	[tilespmem:$0x1C800] =	vst v63  }
0x49: {  	_ =	swait.ge [sflag:s18], $0x4000  }
0x4a: {  	[sflag:s18] =	ssyncset.done $0x0  }
0x4b: {  	[sflag:s18] =	ssyncadd.s32 $0xFFFFC000  }
0x4c: {  	[spmem:s1] =	stream.indirect.scatter.add.f32 [tilespmem:s15], [sflag:$0x3], $0x80, s28, s14, $0xb8;
	[tilespmem:$0x1C800] =	vst v63  }
0x4d: {  	_ =	swait.ge [sflag:s11], $0x4000  }
0x4e: {  	[sflag:s11] =	ssyncset.done $0x0  }
0x4f: {  	[sflag:s11] =	ssyncadd.s32 $0xFFFFC000  }
0x50: {  	[tilespmem:s15], [sflag:$0x1] =	stream.indirect.gather [hbm4b:s4+s14], $0x80, s29, s14, $0xb8;
	[tilespmem:$0x1C800] =	vst v63  }
0x51: {  	_ =	swait.ge [sflag:s20], $0x4000  }
0x52: {  	[sflag:s20] =	ssyncset.done $0x0  }
0x53: {  	[sflag:s20] =	ssyncadd.s32 $0xFFFFC000  }
0x54: {  	[spmem:s1] =	stream.indirect.scatter.add.f32 [tilespmem:s17], [sflag:$0x3], $0x80, s30, s14, $0xb8;
	[tilespmem:$0x1C800] =	vst v63  }
0x55: {  	_ =	swait.ge [sflag:s11], $0x4000  }
0x56: {  	[sflag:s11] =	ssyncset.done $0x0  }
0x57: {  	[sflag:s11] =	ssyncadd.s32 $0xFFFFC000  }
0x58: {  	[tilespmem:s17], [sflag:$0x2] =	stream.indirect.gather [hbm4b:s4+s14], $0x80, s31, s14, $0xb8;
	[tilespmem:$0x1C800] =	vst v63  }
0x59: {  	_ =	swait.ge [sflag:s18], $0x4000  }
0x5a: {  	[sflag:s18] =	ssyncset.done $0x0  }
0x5b: {  	[sflag:s18] =	ssyncadd.s32 $0xFFFFC000  }
0x5c: {  	[spmem:s1] =	stream.indirect.scatter.add.f32 [tilespmem:s15], [sflag:$0x3], $0x80, s0, s14, $0xb8;
	[tilespmem:$0x1C800] =	vst v63  }
0x5d: {  	_ =	swait.ge [sflag:s11], $0x4000  }
0x5e: {  	[sflag:s11] =	ssyncset.done $0x0  }
0x5f: {  	[sflag:s11] =	ssyncadd.s32 $0xFFFFC000  }
0x60: {  	_ =	swait.ge [sflag:s20], $0x4000  }
0x61: {  	[sflag:s20] =	ssyncset.done $0x0  }
0x62: {  	[sflag:s20] =	ssyncadd.s32 $0xFFFFC000  }
0x63: {  	[spmem:s1] =	stream.indirect.scatter.add.f32 [tilespmem:s17], [sflag:$0x3], $0x80, s2, s14, $0xb8;
	[tilespmem:$0x1C800] =	vst v63  }
0x64: {  	s7 =	simm.s32 $0x80;
	_ =	swait.ge [sflag:s11], $0x4000  }
.LBB2_2:
0x65: {  	s8 =	rddreg [dreg:$0x3];
	s6 =	smov.u32 s7;
	[sflag:s11] =	ssyncset.done $0x0  }
0x66: {  	s8 =	sadd.s32 s6, s8;
	[sflag:s11] =	ssyncadd.s32 $0xFFFFC000  }
0x67: {  	[tilespmem:s12], [sflag:$0x3] =	stream.linear.gather [hbm4b:s8+s3], $0x400, $0x38;
	[tilespmem:$0x1C800] =	vst v63  }
0x68: {  	_ =	swait.ge [sflag:s11], $0x400  }
0x69: {  	[sflag:s11] =	ssyncset.done $0x0  }
0x6a: {  	s6 =	sadd.s32 s6, s9;
	[sflag:s11] =	ssyncadd.s32 $0xFFFFFC00  }
0x6b: {  	[tilespmem:s13], [sflag:$0x3] =	stream.linear.gather [hbm4b:s6+s3], $0x400, $0x38;
	[tilespmem:$0x1C800] =	vst v63  }
0x6c: {  	_ =	swait.ge [sflag:s11], $0x400  }
0x6d: {  	[sflag:s11] =	ssyncset.done $0x0  }
0x6e: {  	[sflag:s11] =	ssyncadd.s32 $0xFFFFFC00  }
0x6f: {  	[tilespmem:s15], [sflag:$0x1] =	stream.indirect.gather [hbm4b:s4+s14], $0x80, s12, s14, $0xb8;
	[tilespmem:$0x1C800] =	vst v63  }
0x70: {  	_ = 	snop  }
0x71: {  	[tilespmem:s17], [sflag:$0x2] =	stream.indirect.gather [hbm4b:s4+s14], $0x80, s16, s14, $0xb8;
	[tilespmem:$0x1C800] =	vst v63  }
0x72: {  	_ =	swait.ge [sflag:s18], $0x4000  }
0x73: {  	[sflag:s18] =	ssyncset.done $0x0  }
0x74: {  	[sflag:s18] =	ssyncadd.s32 $0xFFFFC000  }
0x75: {  	[spmem:s1] =	stream.indirect.scatter.add.f32 [tilespmem:s15], [sflag:$0x3], $0x80, s13, s14, $0xb8;
	[tilespmem:$0x1C800] =	vst v63  }
0x76: {  	_ =	swait.ge [sflag:s11], $0x4000  }
0x77: {  	[sflag:s11] =	ssyncset.done $0x0  }
0x78: {  	[sflag:s11] =	ssyncadd.s32 $0xFFFFC000  }
0x79: {  	[tilespmem:s15], [sflag:$0x1] =	stream.indirect.gather [hbm4b:s4+s14], $0x80, s19, s14, $0xb8;
	[tilespmem:$0x1C800] =	vst v63  }
0x7a: {  	_ =	swait.ge [sflag:s20], $0x4000  }
0x7b: {  	[sflag:s20] =	ssyncset.done $0x0  }
0x7c: {  	[sflag:s20] =	ssyncadd.s32 $0xFFFFC000  }
0x7d: {  	[spmem:s1] =	stream.indirect.scatter.add.f32 [tilespmem:s17], [sflag:$0x3], $0x80, s21, s14, $0xb8;
	[tilespmem:$0x1C800] =	vst v63  }
0x7e: {  	_ =	swait.ge [sflag:s11], $0x4000  }
0x7f: {  	[sflag:s11] =	ssyncset.done $0x0  }
0x80: {  	[sflag:s11] =	ssyncadd.s32 $0xFFFFC000  }
0x81: {  	[tilespmem:s17], [sflag:$0x2] =	stream.indirect.gather [hbm4b:s4+s14], $0x80, s22, s14, $0xb8;
	[tilespmem:$0x1C800] =	vst v63  }
0x82: {  	_ =	swait.ge [sflag:s18], $0x4000  }
0x83: {  	[sflag:s18] =	ssyncset.done $0x0  }
0x84: {  	[sflag:s18] =	ssyncadd.s32 $0xFFFFC000  }
0x85: {  	[spmem:s1] =	stream.indirect.scatter.add.f32 [tilespmem:s15], [sflag:$0x3], $0x80, s23, s14, $0xb8;
	[tilespmem:$0x1C800] =	vst v63  }
0x86: {  	_ =	swait.ge [sflag:s11], $0x4000  }
0x87: {  	[sflag:s11] =	ssyncset.done $0x0  }
0x88: {  	[sflag:s11] =	ssyncadd.s32 $0xFFFFC000  }
0x89: {  	[tilespmem:s15], [sflag:$0x1] =	stream.indirect.gather [hbm4b:s4+s14], $0x80, s24, s14, $0xb8;
	[tilespmem:$0x1C800] =	vst v63  }
0x8a: {  	_ =	swait.ge [sflag:s20], $0x4000  }
0x8b: {  	[sflag:s20] =	ssyncset.done $0x0  }
0x8c: {  	[sflag:s20] =	ssyncadd.s32 $0xFFFFC000  }
0x8d: {  	[spmem:s1] =	stream.indirect.scatter.add.f32 [tilespmem:s17], [sflag:$0x3], $0x80, s25, s14, $0xb8;
	[tilespmem:$0x1C800] =	vst v63  }
0x8e: {  	_ =	swait.ge [sflag:s11], $0x4000  }
0x8f: {  	[sflag:s11] =	ssyncset.done $0x0  }
0x90: {  	[sflag:s11] =	ssyncadd.s32 $0xFFFFC000  }
0x91: {  	[tilespmem:s17], [sflag:$0x2] =	stream.indirect.gather [hbm4b:s4+s14], $0x80, s26, s14, $0xb8;
	[tilespmem:$0x1C800] =	vst v63  }
0x92: {  	_ =	swait.ge [sflag:s18], $0x4000  }
0x93: {  	[sflag:s18] =	ssyncset.done $0x0  }
0x94: {  	[sflag:s18] =	ssyncadd.s32 $0xFFFFC000  }
0x95: {  	[spmem:s1] =	stream.indirect.scatter.add.f32 [tilespmem:s15], [sflag:$0x3], $0x80, s28, s14, $0xb8;
	[tilespmem:$0x1C800] =	vst v63  }
0x96: {  	_ =	swait.ge [sflag:s11], $0x4000  }
0x97: {  	[sflag:s11] =	ssyncset.done $0x0  }
0x98: {  	[sflag:s11] =	ssyncadd.s32 $0xFFFFC000  }
0x99: {  	[tilespmem:s15], [sflag:$0x1] =	stream.indirect.gather [hbm4b:s4+s14], $0x80, s29, s14, $0xb8;
	[tilespmem:$0x1C800] =	vst v63  }
0x9a: {  	_ =	swait.ge [sflag:s20], $0x4000  }
0x9b: {  	[sflag:s20] =	ssyncset.done $0x0  }
0x9c: {  	[sflag:s20] =	ssyncadd.s32 $0xFFFFC000  }
0x9d: {  	[spmem:s1] =	stream.indirect.scatter.add.f32 [tilespmem:s17], [sflag:$0x3], $0x80, s30, s14, $0xb8;
	[tilespmem:$0x1C800] =	vst v63  }
0x9e: {  	_ =	swait.ge [sflag:s11], $0x4000  }
0x9f: {  	[sflag:s11] =	ssyncset.done $0x0  }
0xa0: {  	[sflag:s11] =	ssyncadd.s32 $0xFFFFC000  }
0xa1: {  	[tilespmem:s17], [sflag:$0x2] =	stream.indirect.gather [hbm4b:s4+s14], $0x80, s31, s14, $0xb8;
	[tilespmem:$0x1C800] =	vst v63  }
0xa2: {  	_ =	swait.ge [sflag:s18], $0x4000  }
0xa3: {  	[sflag:s18] =	ssyncset.done $0x0  }
0xa4: {  	[sflag:s18] =	ssyncadd.s32 $0xFFFFC000  }
0xa5: {  	[spmem:s1] =	stream.indirect.scatter.add.f32 [tilespmem:s15], [sflag:$0x3], $0x80, s0, s14, $0xb8;
	[tilespmem:$0x1C800] =	vst v63  }
0xa6: {  	_ =	swait.ge [sflag:s11], $0x4000  }
0xa7: {  	[sflag:s11] =	ssyncset.done $0x0  }
0xa8: {  	p0 =	sne.s32 s7, $0x480;
	[sflag:s11] =	ssyncadd.s32 $0xFFFFC000  }
.Ltmp0:
0xa9: {  	_ =	swait.ge [sflag:s20], $0x4000;
	(pc) =	sbr.rel @p0 .LBB2_2-.Ltmp0, $4  }
0xaa: {  	[sflag:s20] =	ssyncset.done $0x0  }
0xab: {  	[sflag:s20] =	ssyncadd.s32 $0xFFFFC000  }
0xac: {  	[spmem:s1] =	stream.indirect.scatter.add.f32 [tilespmem:s17], [sflag:$0x3], $0x80, s2, s14, $0xb8;
	[tilespmem:$0x1C800] =	vst v63  }
0xad: {  	s7 =	sadd.s32 $0x80, s7;
	_ =	swait.ge [sflag:s11], $0x4000  }
0xae: {  	[sflag:s11] =	ssyncset.done $0x0  }
0xaf: {  	[sflag:s11] =	ssyncadd.s32 $0xFFFFC000  }
0xb0: {  	[bflag:$0x0] =	sbarrier.arrive $0xFFFF  }
0xb1: {  	s6 =	rddreg [dreg:$0x5]  }
0xb2: {  	s8 =	rddreg [dreg:$0x7]  }
0xb3: {  	[hbm:s6], [sflag:s10] =	dma.local [spmem:s8], $0x2800  }
0xb4: {  	_ =	swait.ge [sflag:s11], $0x2800  }
0xb5: {  	s7 =	smov.u32 s10;
	s5 =	sadd.s32 $0x1, s5;
	s10 =	rddreg [dreg:$0x6]  }
0xb6: {  	p0 =	sne.s32 s5, s10  }
.Ltmp1:
0xb7: {  	_ = 	snop;
	(pc) =	sbr.rel @p0 .LBB2_1-.Ltmp1, $3  }
0xb8: {  	_ =	sdelay $0x1  }
0xb9: {  	[sflag:s11] =	ssyncset.done $0x0  }
0xba: {  	[sflag:s11] =	ssyncadd.s32 $0xFFFFD800  }
0xbb: {  	_ =	sfence.sel $0x180000  }
0xbc: {  	[bflag:$0x0] =	sbarrier.arrive $0xFFFF  }
0xbd: {  	_ =	strace $0x9000004A  }
0xbe: {  	s0 =	stileid.u32;
	[bflag:$0x2] =	sbarrier.arrive $0xFFFF  }
0xbf: {  	p0 =	sne.s32 s0, $0x0;
	s0 =	rddreg [dreg:$0x2]  }
0xc0: {  	s0 =	sadd.s32 @!p0 $0x100000, s0  }
0xc1: {  	[sflag:s0] =	ssyncadd.tile.s32 @!p0 $0x1;
	_ =	shalt  }
.Lfunc_end2:
_tile_overlayer_lowered:
.L_overlay_start_2:
0xc2: {  	(tag) =	ssettag $0x2  }
0xc3: {  	s0 =	rddreg [dreg:$0x0];
	s2 =	stileid.u32  }
0xc4: {  	s1 =	rddreg [dreg:$0x1];
	p0 =	sne.s32 s2, $0x0  }
0xc5: {  	s3 =	rddreg [dreg:$0x2];
	[bflag:$0x3] =	sbarrier.arrive $0xFFFF;
	s2 =	simm.s32 @!p0 $0x1C03  }
0xc6: {  	[timem:s3], [sflag:s2] =	dma.local @!p0 [hbm:s0], s1  }
0xc7: {  	s0 =	simm.s32 @!p0 $0x3  }
0xc8: {  	_ =	swait.ge @!p0 [sflag:s0], s1  }
0xc9: {  	s1 =	ssub.s32 @!p0 $0x0, s1;
	[sflag:s0] =	ssyncset.done @!p0 $0x0  }
0xca: {  	[sflag:s0] =	ssyncadd.s32 @!p0 s1  }
0xcb: {  	[bflag:$0x3] =	sbarrier.arrive $0xFFFF  }
0xcc: {  	_ =	shalt  }

// kernel: kernel.14.cloned.1.call-start
scs
__scs_entry_jumppad:
0x0: {  	(pc) =	sbr.rel $0x88, $3  }
0x1: {  	(tag) =	ssettag $0x0;
	lr =	simm.s32 $0x1  }
0x2: {  	[smem:$0x3F98] =	sst lr;
	_ =	strace $0xD0000000  }
0x3: {  	_ = 	snop  }
0x4: {  	_ = 	snop  }
0x5: {  	_ = 	snop  }
0x6: {  	_ = 	snop  }
0x7: {  	_ = 	snop  }
__scs_overlays_trampoline_lowered:
0x8: {  	[smem:$0x3FA7] =	sst s0  }
0x9: {  	[smem:$0x3FA8] =	sst s1  }
0xa: {  	[smem:$0x3FA9] =	sst s2  }
0xb: {  	[smem:$0x3FAA] =	sst s3  }
0xc: {  	[smem:$0x3FAB] =	sst s4  }
0xd: {  	[smem:$0x3FAC] =	sst s5  }
0xe: {  	[smem:$0x3FAD] =	sst s6  }
0xf: {  	[smem:$0x3FAE] =	sst s7  }
0x10: {  	[smem:$0x3FAF] =	sst s8  }
0x11: {  	[smem:$0x3FB0] =	sst s9;
	s0 =	simm.s32 @!p0 $0x0  }
0x12: {  	s1 =	sld [smem:$0x3F96];
	s0 =	simm.s32 @p0 $0x1  }
0x13: {  	[smem:$0x3FB1] =	sst s0;
	s0 =	simm.s32 @!p1 $0x0  }
0x14: {  	s2 =	sld [smem:$0x3F95];
	s0 =	simm.s32 @p1 $0x1  }
0x15: {  	[smem:$0x3FB2] =	sst s0;
	s0 =	simm.s32 @!p2 $0x0  }
0x16: {  	s3 =	sld [smem:$0x3FDB];
	s0 =	simm.s32 @p2 $0x1  }
0x17: {  	s4 =	simm.s32 $0x1BF5;
	[smem:$0x3FB4] =	sst s0  }
0x18: {  	s0 =	sld [smem:$0x3F97];
	_ =	swait.ge [sflag:s4], $0x0  }
0x19: {  	s7 =	sld [smem:$0x3F98]  }
0x1a: {  	s8 =	sadd.s32 $0xFFFFE003, lr  }
0x1b: {  	s9 =	sadd.s32 $0xFFFFFEF7, lr;
	s5 =	simm.s32 $0xFFFFFFFF;
	p2 =	slt.u32 s8, $0xFFFFF086  }
0x1c: {  	p1 =	slt.u32 s9, $0xF7A;
	s5 =	simm.s32 @!p2 $0x0  }
0x1d: {  	s5 =	simm.s32 @p1 $0x1;
	p0 =	seq.s32 s7, s2  }
0x1e: {  	s7 =	smul.u32 @!p0 $0xF7A, s2;
	p2 =	seq.s32 @!p0 s5, $0x0  }
0x1f: {  	s9 =	smul.u32 $0xF7A, s1;
	s8 =	simm.s32 @!p0 $0x1BF5;
	p2 =	por !p2, p0  }
0x20: {  	[sflag:s8] =	ssyncset.s32 @!p0 $0xFFFFF086;
	s6 =	sadd.s32 @!p0 s3, s7;
	s7 =	simm.s32 @!p0 $0x108  }
0x21: {  	s3 =	sadd.s32 s3, s9;
	s6 =	sadd.s32 @!p0 $0x88, s6;
	s7 =	simm.s32 @p2 $0x1082  }
0x22: {  	[simem:s7], [sflag:s8] =	dma.local @!p0 [hbm:s6], $0xF7A  }
0x23: {  	s9 =	sor.u32 $0xD0000000, s2;
	s6 =	simm.s32 $0x108;
	_ =	swait.ge @!p0 [sflag:s8], $0x0  }
0x24: {  	s3 =	sadd.s32 $0x88, s3;
	s6 =	simm.s32 @!p1 $0x1082;
	[sflag:s4] =	ssyncset.s32 $0xFFFFF086  }
0x25: {  	[simem:s6], [sflag:s4] =	dma.local [hbm:s3], $0xF7A  }
0x26: {  	[smem:$0x3F98] =	sst s1;
	(tag) =	ssettag s2;
	_ =	strace s9  }
0x27: {  	s1 =	sld [smem:$0x3FA8]  }
0x28: {  	s2 =	sld [smem:$0x3FA9]  }
0x29: {  	s4 =	sld [smem:$0x3FAB]  }
0x2a: {  	p0 =	seq.s32 s5, $0x0;
	s5 =	sld [smem:$0x3FAC]  }
0x2b: {  	s6 =	sld [smem:$0x3FAD]  }
0x2c: {  	s7 =	sld [smem:$0x3FAE]  }
0x2d: {  	s3 =	simm.s32 $0x108;
	s8 =	sld [smem:$0x3FAF]  }
0x2e: {  	s3 =	simm.s32 @!p0 $0x1082;
	s9 =	sld [smem:$0x3FB0]  }
0x2f: {  	lr =	sadd.s32 s0, s3;
	s0 =	sld [smem:$0x3FA7]  }
0x30: {  	s3 =	sld [smem:$0x3FAA]  }
0x31: {  	[smem:$0x3FB3] =	sst s10  }
0x32: {  	s10 =	sld [smem:$0x3FB1];
	_ =	sdelay $0x3  }
0x33: {  	p0 =	seq.s32 s10, $0x1;
	s10 =	sld [smem:$0x3FB3];
	_ =	sdelay $0x3  }
0x34: {  	[smem:$0x3FB3] =	sst s10  }
0x35: {  	s10 =	sld [smem:$0x3FB2];
	_ =	sdelay $0x3  }
0x36: {  	p1 =	seq.s32 s10, $0x1;
	s10 =	sld [smem:$0x3FB3];
	_ =	sdelay $0x3  }
0x37: {  	[smem:$0x3FB3] =	sst s10  }
0x38: {  	s10 =	sld [smem:$0x3FB4]  }
0x39: {  	_ = 	snop;
	(pc) =	sbr.ind lr, $3  }
0x3a: {  	_ = 	snop  }
0x3b: {  	_ = 	snop  }
0x3c: {  	p2 =	seq.s32 s10, $0x1;
	s10 =	sld [smem:$0x3FB3]  }
0x3d: {  	_ =	shalt  }
0x3e: {  	_ =	shalt  }
0x3f: {  	_ =	shalt  }
0x40: {  	_ =	shalt  }
0x41: {  	_ =	shalt  }
0x42: {  	_ =	shalt  }
0x43: {  	_ =	shalt  }
0x44: {  	_ =	shalt  }
0x45: {  	_ =	shalt  }
0x46: {  	_ =	shalt  }
0x47: {  	_ =	shalt  }
0x48: {  	_ =	shalt  }
0x49: {  	_ =	shalt  }
0x4a: {  	_ =	shalt  }
0x4b: {  	_ =	shalt  }
0x4c: {  	_ =	shalt  }
0x4d: {  	_ =	shalt  }
0x4e: {  	_ =	shalt  }
0x4f: {  	_ =	shalt  }
0x50: {  	_ =	shalt  }
0x51: {  	_ =	shalt  }
0x52: {  	_ =	shalt  }
0x53: {  	_ =	shalt  }
0x54: {  	_ =	shalt  }
0x55: {  	_ =	shalt  }
0x56: {  	_ =	shalt  }
0x57: {  	_ =	shalt  }
0x58: {  	_ =	shalt  }
0x59: {  	_ =	shalt  }
0x5a: {  	_ =	shalt  }
0x5b: {  	_ =	shalt  }
0x5c: {  	_ =	shalt  }
0x5d: {  	_ =	shalt  }
0x5e: {  	_ =	shalt  }
0x5f: {  	_ =	shalt  }
0x60: {  	_ =	shalt  }
0x61: {  	_ =	shalt  }
0x62: {  	_ =	shalt  }
0x63: {  	_ =	shalt  }
0x64: {  	_ =	shalt  }
0x65: {  	_ =	shalt  }
0x66: {  	_ =	shalt  }
0x67: {  	_ =	shalt  }
0x68: {  	_ =	shalt  }
0x69: {  	_ =	shalt  }
0x6a: {  	_ =	shalt  }
0x6b: {  	_ =	shalt  }
0x6c: {  	_ =	shalt  }
0x6d: {  	_ =	shalt  }
0x6e: {  	_ =	shalt  }
0x6f: {  	_ =	shalt  }
0x70: {  	_ =	shalt  }
0x71: {  	_ =	shalt  }
0x72: {  	_ =	shalt  }
0x73: {  	_ =	shalt  }
0x74: {  	_ =	shalt  }
0x75: {  	_ =	shalt  }
0x76: {  	_ =	shalt  }
0x77: {  	_ =	shalt  }
0x78: {  	_ =	shalt  }
0x79: {  	_ =	shalt  }
0x7a: {  	_ =	shalt  }
0x7b: {  	_ =	shalt  }
0x7c: {  	_ =	shalt  }
0x7d: {  	_ =	shalt  }
0x7e: {  	_ =	shalt  }
0x7f: {  	_ =	shalt  }
0x80: {  	_ =	shalt  }
0x81: {  	_ =	shalt  }
0x82: {  	_ =	shalt  }
0x83: {  	_ =	shalt  }
0x84: {  	_ =	shalt  }
0x85: {  	_ =	shalt  }
0x86: {  	_ =	shalt  }
0x87: {  	_ =	shalt  }
.Lfunc_end0:
.L_simem_size_0:
called_computation.2_lowered:
.L_overlay_start_0:
0x88: {  	s2 =	sld [smem:$0x3FD9]  }
0x89: {  	s3 =	sld [smem:$0x3FFE];
	_ =	sdelay $0x1  }
0x8a: {  	s1 =	srdreg.scid  }
0x8b: {  	s0 =	sand.u32 $0x1, s1  }
0x8c: {  	s16 =	sshll.u32 s0, $0xA;
	s2 =	sadd.s32 s3, s2  }
0x8d: {  	s2 =	sadd.s32 s2, s16  }
0x8e: {  	[smem:$0x3FBF] =	sst s2  }
0x8f: {  	_ = 	snop  }
0x90: {  	(tm) =	ssettm $0x1  }
0x91: {  	s17 =	sld [smem:$0x3FFB];
	_ =	sdelay $0x3  }
0x92: {  	_ =	strace s17  }
0x93: {  	s2 =	sld [smem:$0x3FFC];
	_ =	sdelay $0x3  }
0x94: {  	_ =	strace s2  }
0x95: {  	s2 =	sld [smem:$0x3FFD];
	_ =	sdelay $0x3  }
0x96: {  	_ =	strace s2  }
0x97: {  	_ =	strace $0x8FFFFFFF  }
0x98: {  	s18 =	sld [smem:$0x3FDB];
	_ =	sdelay $0x1  }
0x99: {  	s19 =	simm.s32 $_scs_section_size  }
0x9a: {  	s4 =	simm.s32 $_size__tile_overlayer_lowered;
	s5 =	simm.s32 $_tile_overlayer_lowered  }
0x9b: {  	s22 =	simm.s32 $0x1BFF;
	s21 =	sshll.u32 s5, $0x1;
	s2 =	sadd.s32 s19, s18  }
0x9c: {  	s6 =	simm.s32 $0x0;
	s20 =	sshll.u32 s4, $0x1;
	s4 =	sadd.s32 s21, s2  }
0x9d: {  	[timem:s6], [sflag:s22] =	dma.local [hbm:s4], s20  }
0x9e: {  	_ =	swait.ge [sflag:s22], s20  }
0x9f: {  	s3 =	ssub.s32 $0x0, s20;
	[sflag:s22] =	ssyncset.done $0x0  }
0xa0: {  	[sflag:s22] =	ssyncadd.s32 s3;
	_ =	sdelay $0x1  }
0xa1: {  	s23 =	simm.s32 $0x1B8B  }
0xa2: {  	_ =	swait.ge [sflag:s23], $0x1  }
0xa3: {  	[sflag:s23] =	ssyncset.done $0x0  }
0xa4: {  	s25 =	simm.s32 $0x1B8E;
	s24 =	sld [smem:$0x3FFE];
	[sflag:s23] =	ssyncadd.s32 $0xFFFFFFFF  }
0xa5: {  	s26 =	simm.s32 $execute0_lowered;
	[smem:$0x3FD2] =	sst s25  }
0xa6: {  	s4 =	sshll.u32 s26, $0x1;
	_ =	strace $0x8000004C;
	[dreg:$0x1] =	wrdreg $0xFFFFFFFF  }
0xa7: {  	s28 =	simm.s32 $_size_execute0_lowered;
	s2 =	sadd.s32 s2, s4;
	[dreg:$0x0] =	wrdreg $0x0  }
0xa8: {  	s4 =	sshll.u32 s28, $0x1;
	[dreg:$0x2] =	wrdreg s2  }
0xa9: {  	[dreg:$0x3] =	wrdreg s4  }
0xaa: {  	[dreg:$0x4] =	wrdreg $0xC0  }
0xab: {  	_ =	task [dreg:s6], $0x5FFFF  }
0xac: {  	[dreg:$0x1] =	wrdreg $0xFFFFFFFF  }
0xad: {  	[dreg:$0x0] =	wrdreg $0x60  }
0xae: {  	[dreg:$0x2] =	wrdreg s24  }
0xaf: {  	[dreg:$0x3] =	wrdreg $0x0  }
0xb0: {  	[dreg:$0x4] =	wrdreg $0x9  }
0xb1: {  	_ =	task.clear_ibuf [dreg:s6], $0x5FFFF;
	_ =	strace $0x9000004C  }
0xb2: {  	s29 =	simm.s32 $0x9;
	_ =	strace $0x8000004E  }
0xb3: {  	_ =	swait.ge [sflag:s29], $0x1  }
0xb4: {  	[sflag:s29] =	ssyncadd.s32 $0xFFFFFFFF  }
0xb5: {  	_ =	strace $0x9000004E  }
0xb6: {  	_ =	sfence  }
0xb7: {  	s30 =	sld [smem:$0x0];
	_ =	sdelay $0x2  }
0xb8: {  	s31 =	sshll.u32 s1, $0xD;
	s1 =	sshrl.u32 s1, $0x2  }
0xb9: {  	s3 =	sand.u32 $0x4000, s31;
	s1 =	sadd.s32 s1, s30  }
0xba: {  	s0 =	sor.u32 s3, s0;
	s1 =	sshll.u32 s1, $0x11  }
0xbb: {  	s0 =	sor.u32 s1, s0  }
0xbc: {  	s0 =	sadd.s32 $0x8F2B, s0  }
0xbd: {  	[sflag:s0] =	ssyncadd.remote.s32 $0x1  }
0xbe: {  	_ =	sfence.sel $0xFFFF  }
0xbf: {  	[dreg:$0x0] =	wrdreg $0xFFFFFFFF;
	(pc) =	sbr.abs _section_cstart, $3  }
0xc0: {  	[dreg:$0x1] =	wrdreg $0xFFFFFFFF  }
0xc1: {  	_ =	task.clear_ibuf [dreg:s6], $0x2FFFF;
	_ =	strace $0x9FFFFFFF  }
0xc2: {  	(tm) =	ssettm $0x7FFFFFFF  }
0xc3: {  	_ =	shalt  }
tec
execute0_lowered:
.L_overlay_start_1:
0x0: {  	(tag) =	ssettag $0x1  }
0x1: {  	s0 =	rddreg [dreg:$0x0]  }
0x2: {  	s1 =	rddreg [dreg:$0x1];
	s2 =	srdreg.scid;
	s3 =	simm.s32 $0x0  }
0x3: {  	s11 =	stileid.u32;
	s12 =	simm.s32 $0x14000;
	s13 =	simm.s32 $0x14400  }
0x4: {  	s14 =	simm.s32 $0x80;
	s15 =	simm.s32 $0x14800;
	s16 =	simm.s32 $0x14080  }
0x5: {  	s17 =	simm.s32 $0x18800;
	s18 =	simm.s32 $0x1;
	s19 =	simm.s32 $0x14100  }
0x6: {  	s20 =	simm.s32 $0x2;
	s21 =	simm.s32 $0x14480;
	s22 =	simm.s32 $0x14180  }
0x7: {  	s28 =	simm.s32 $0x14600;
	s29 =	simm.s32 $0x14300;
	s30 =	simm.s32 $0x14680  }
0x8: {  	s31 =	simm.s32 $0x14380;
	s2 =	sand.u32 $0x1, s2;
	s6 =	smul.u32 $0x280, s11  }
0x9: {  	[smem:$0x7FF] =	sst s3;
	s7 =	smul.u32 $0x500, s11;
	s4 =	sadd.s32 $0x7600, s0  }
0xa: {  	s23 =	smul.u32 $0x50000, s11;
	s24 =	sshll.u32 s11, $0x6;
	s11 =	simm.s32 $0x3  }
0xb: {  	s5 =	smul.u32 $0x2800, s2;
	_ =	strace $0x8000004D;
	s8 =	ssub.s32 $0x2, s2  }
0xc: {  	s2 =	smul.u32 $0x5000, s2;
	s7 =	sadd.s32 s7, s0;
	s9 =	sshrl.u32 s8, $0x1  }
0xd: {  	s5 =	sadd.s32 s6, s5;
	s6 =	sshrl.u32 s23, $0x2;
	s8 =	ssub.s32 s8, s9  }
0xe: {  	s2 =	sadd.s32 s2, s7;
	s9 =	sadd.s32 $0x2600, s7;
	s23 =	simm.s32 $0x14500  }
0xf: {  	s5 =	sshll.u32 s5, $0x4;
	s10 =	sadd.s32 s6, s1;
	s26 =	smax.u32 s8, $0x1  }
0x10: {  	s25 =	sadd.s32 $0xAA600, s2;
	s2 =	simm.s32 $0x14780;
	[dreg:$0x6] =	wrdreg s26  }
0x11: {  	s0 =	sadd.s32 s5, s0;
	s5 =	sadd.s32 s4, s5;
	[dreg:$0x3] =	wrdreg s25  }
0x12: {  	s8 =	sshrl.u32 s10, $0x3;
	s25 =	simm.s32 $0x14580;
	[dreg:$0x4] =	wrdreg s5  }
0x13: {  	s26 =	simm.s32 $0x14280;
	s0 =	sadd.s32 $0x57600, s0;
	[dreg:$0x7] =	wrdreg s8  }
0x14: {  	s5 =	sor.u32 $0x1C03, s24;
	s24 =	simm.s32 $0x14200;
	[dreg:$0x5] =	wrdreg s0  }
0x15: {  	s7 =	smov.u32 s5;
	s0 =	simm.s32 $0x14700;
	s5 =	simm.s32 $0x0  }
.LBB2_1:
0x16: {  	s6 =	rddreg [dreg:$0x4]  }
0x17: {  	[spmem:s8], [sflag:s7] =	dma.local [hbm:s6], $0x2800  }
0x18: {  	_ =	swait.ge [sflag:s11], $0x2800  }
0x19: {  	[sflag:s11] =	ssyncset.done $0x0  }
0x1a: {  	[sflag:s11] =	ssyncadd.s32 $0xFFFFD800  }
0x1b: {  	[bflag:$0x0] =	sbarrier.arrive $0xFFFF  }
0x1c: {  	s6 =	rddreg [dreg:$0x3]  }
0x1d: {  	s10 =	smov.u32 s7;
	s7 =	sadd.s32 $0x0, s6  }
0x1e: {  	[tilespmem:s12], [sflag:$0x3] =	stream.linear.gather [hbm4b:s7+s3], $0x400, $0x38;
	[tilespmem:$0x1C800] =	vst v63  }
0x1f: {  	_ =	swait.ge [sflag:s11], $0x400  }
0x20: {  	[sflag:s11] =	ssyncset.done $0x0  }
0x21: {  	s8 =	sadd.s32 $0x0, s9;
	[sflag:s11] =	ssyncadd.s32 $0xFFFFFC00  }
0x22: {  	[tilespmem:s13], [sflag:$0x3] =	stream.linear.gather [hbm4b:s8+s3], $0x400, $0x38;
	[tilespmem:$0x1C800] =	vst v63  }
0x23: {  	_ =	swait.ge [sflag:s11], $0x400  }
0x24: {  	[sflag:s11] =	ssyncset.done $0x0  }
0x25: {  	[sflag:s11] =	ssyncadd.s32 $0xFFFFFC00  }
0x26: {  	[tilespmem:s15], [sflag:$0x1] =	stream.indirect.gather [hbm4b:s4+s14], $0x80, s12, s14, $0xb8;
	[tilespmem:$0x1C800] =	vst v63  }
0x27: {  	_ = 	snop  }
0x28: {  	[tilespmem:s17], [sflag:$0x2] =	stream.indirect.gather [hbm4b:s4+s14], $0x80, s16, s14, $0xb8;
	[tilespmem:$0x1C800] =	vst v63  }
0x29: {  	_ =	swait.ge [sflag:s18], $0x4000  }
0x2a: {  	[sflag:s18] =	ssyncset.done $0x0  }
0x2b: {  	[sflag:s18] =	ssyncadd.s32 $0xFFFFC000  }
0x2c: {  	[spmem:s1] =	stream.indirect.scatter.add.f32 [tilespmem:s15], [sflag:$0x3], $0x80, s13, s14, $0xb8;
	[tilespmem:$0x1C800] =	vst v63  }
0x2d: {  	_ =	swait.ge [sflag:s11], $0x4000  }
0x2e: {  	[sflag:s11] =	ssyncset.done $0x0  }
0x2f: {  	[sflag:s11] =	ssyncadd.s32 $0xFFFFC000  }
0x30: {  	[tilespmem:s15], [sflag:$0x1] =	stream.indirect.gather [hbm4b:s4+s14], $0x80, s19, s14, $0xb8;
	[tilespmem:$0x1C800] =	vst v63  }
0x31: {  	_ =	swait.ge [sflag:s20], $0x4000  }
0x32: {  	[sflag:s20] =	ssyncset.done $0x0  }
0x33: {  	[sflag:s20] =	ssyncadd.s32 $0xFFFFC000  }
0x34: {  	[spmem:s1] =	stream.indirect.scatter.add.f32 [tilespmem:s17], [sflag:$0x3], $0x80, s21, s14, $0xb8;
	[tilespmem:$0x1C800] =	vst v63  }
0x35: {  	_ =	swait.ge [sflag:s11], $0x4000  }
0x36: {  	[sflag:s11] =	ssyncset.done $0x0  }
0x37: {  	[sflag:s11] =	ssyncadd.s32 $0xFFFFC000  }
0x38: {  	[tilespmem:s17], [sflag:$0x2] =	stream.indirect.gather [hbm4b:s4+s14], $0x80, s22, s14, $0xb8;
	[tilespmem:$0x1C800] =	vst v63  }
0x39: {  	_ =	swait.ge [sflag:s18], $0x4000  }
0x3a: {  	[sflag:s18] =	ssyncset.done $0x0  }
0x3b: {  	[sflag:s18] =	ssyncadd.s32 $0xFFFFC000  }
0x3c: {  	[spmem:s1] =	stream.indirect.scatter.add.f32 [tilespmem:s15], [sflag:$0x3], $0x80, s23, s14, $0xb8;
	[tilespmem:$0x1C800] =	vst v63  }
0x3d: {  	_ =	swait.ge [sflag:s11], $0x4000  }
0x3e: {  	[sflag:s11] =	ssyncset.done $0x0  }
0x3f: {  	[sflag:s11] =	ssyncadd.s32 $0xFFFFC000  }
0x40: {  	[tilespmem:s15], [sflag:$0x1] =	stream.indirect.gather [hbm4b:s4+s14], $0x80, s24, s14, $0xb8;
	[tilespmem:$0x1C800] =	vst v63  }
0x41: {  	_ =	swait.ge [sflag:s20], $0x4000  }
0x42: {  	[sflag:s20] =	ssyncset.done $0x0  }
0x43: {  	[sflag:s20] =	ssyncadd.s32 $0xFFFFC000  }
0x44: {  	[spmem:s1] =	stream.indirect.scatter.add.f32 [tilespmem:s17], [sflag:$0x3], $0x80, s25, s14, $0xb8;
	[tilespmem:$0x1C800] =	vst v63  }
0x45: {  	_ =	swait.ge [sflag:s11], $0x4000  }
0x46: {  	[sflag:s11] =	ssyncset.done $0x0  }
0x47: {  	[sflag:s11] =	ssyncadd.s32 $0xFFFFC000  }
0x48: {  	[tilespmem:s17], [sflag:$0x2] =	stream.indirect.gather [hbm4b:s4+s14], $0x80, s26, s14, $0xb8;
	[tilespmem:$0x1C800] =	vst v63  }
0x49: {  	_ =	swait.ge [sflag:s18], $0x4000  }
0x4a: {  	[sflag:s18] =	ssyncset.done $0x0  }
0x4b: {  	[sflag:s18] =	ssyncadd.s32 $0xFFFFC000  }
0x4c: {  	[spmem:s1] =	stream.indirect.scatter.add.f32 [tilespmem:s15], [sflag:$0x3], $0x80, s28, s14, $0xb8;
	[tilespmem:$0x1C800] =	vst v63  }
0x4d: {  	_ =	swait.ge [sflag:s11], $0x4000  }
0x4e: {  	[sflag:s11] =	ssyncset.done $0x0  }
0x4f: {  	[sflag:s11] =	ssyncadd.s32 $0xFFFFC000  }
0x50: {  	[tilespmem:s15], [sflag:$0x1] =	stream.indirect.gather [hbm4b:s4+s14], $0x80, s29, s14, $0xb8;
	[tilespmem:$0x1C800] =	vst v63  }
0x51: {  	_ =	swait.ge [sflag:s20], $0x4000  }
0x52: {  	[sflag:s20] =	ssyncset.done $0x0  }
0x53: {  	[sflag:s20] =	ssyncadd.s32 $0xFFFFC000  }
0x54: {  	[spmem:s1] =	stream.indirect.scatter.add.f32 [tilespmem:s17], [sflag:$0x3], $0x80, s30, s14, $0xb8;
	[tilespmem:$0x1C800] =	vst v63  }
0x55: {  	_ =	swait.ge [sflag:s11], $0x4000  }
0x56: {  	[sflag:s11] =	ssyncset.done $0x0  }
0x57: {  	[sflag:s11] =	ssyncadd.s32 $0xFFFFC000  }
0x58: {  	[tilespmem:s17], [sflag:$0x2] =	stream.indirect.gather [hbm4b:s4+s14], $0x80, s31, s14, $0xb8;
	[tilespmem:$0x1C800] =	vst v63  }
0x59: {  	_ =	swait.ge [sflag:s18], $0x4000  }
0x5a: {  	[sflag:s18] =	ssyncset.done $0x0  }
0x5b: {  	[sflag:s18] =	ssyncadd.s32 $0xFFFFC000  }
0x5c: {  	[spmem:s1] =	stream.indirect.scatter.add.f32 [tilespmem:s15], [sflag:$0x3], $0x80, s0, s14, $0xb8;
	[tilespmem:$0x1C800] =	vst v63  }
0x5d: {  	_ =	swait.ge [sflag:s11], $0x4000  }
0x5e: {  	[sflag:s11] =	ssyncset.done $0x0  }
0x5f: {  	[sflag:s11] =	ssyncadd.s32 $0xFFFFC000  }
0x60: {  	_ =	swait.ge [sflag:s20], $0x4000  }
0x61: {  	[sflag:s20] =	ssyncset.done $0x0  }
0x62: {  	[sflag:s20] =	ssyncadd.s32 $0xFFFFC000  }
0x63: {  	[spmem:s1] =	stream.indirect.scatter.add.f32 [tilespmem:s17], [sflag:$0x3], $0x80, s2, s14, $0xb8;
	[tilespmem:$0x1C800] =	vst v63  }
0x64: {  	s7 =	simm.s32 $0x80;
	_ =	swait.ge [sflag:s11], $0x4000  }
.LBB2_2:
0x65: {  	s8 =	rddreg [dreg:$0x3];
	s6 =	smov.u32 s7;
	[sflag:s11] =	ssyncset.done $0x0  }
0x66: {  	s8 =	sadd.s32 s6, s8;
	[sflag:s11] =	ssyncadd.s32 $0xFFFFC000  }
0x67: {  	[tilespmem:s12], [sflag:$0x3] =	stream.linear.gather [hbm4b:s8+s3], $0x400, $0x38;
	[tilespmem:$0x1C800] =	vst v63  }
0x68: {  	_ =	swait.ge [sflag:s11], $0x400  }
0x69: {  	[sflag:s11] =	ssyncset.done $0x0  }
0x6a: {  	s6 =	sadd.s32 s6, s9;
	[sflag:s11] =	ssyncadd.s32 $0xFFFFFC00  }
0x6b: {  	[tilespmem:s13], [sflag:$0x3] =	stream.linear.gather [hbm4b:s6+s3], $0x400, $0x38;
	[tilespmem:$0x1C800] =	vst v63  }
0x6c: {  	_ =	swait.ge [sflag:s11], $0x400  }
0x6d: {  	[sflag:s11] =	ssyncset.done $0x0  }
0x6e: {  	[sflag:s11] =	ssyncadd.s32 $0xFFFFFC00  }
0x6f: {  	[tilespmem:s15], [sflag:$0x1] =	stream.indirect.gather [hbm4b:s4+s14], $0x80, s12, s14, $0xb8;
	[tilespmem:$0x1C800] =	vst v63  }
0x70: {  	_ = 	snop  }
0x71: {  	[tilespmem:s17], [sflag:$0x2] =	stream.indirect.gather [hbm4b:s4+s14], $0x80, s16, s14, $0xb8;
	[tilespmem:$0x1C800] =	vst v63  }
0x72: {  	_ =	swait.ge [sflag:s18], $0x4000  }
0x73: {  	[sflag:s18] =	ssyncset.done $0x0  }
0x74: {  	[sflag:s18] =	ssyncadd.s32 $0xFFFFC000  }
0x75: {  	[spmem:s1] =	stream.indirect.scatter.add.f32 [tilespmem:s15], [sflag:$0x3], $0x80, s13, s14, $0xb8;
	[tilespmem:$0x1C800] =	vst v63  }
0x76: {  	_ =	swait.ge [sflag:s11], $0x4000  }
0x77: {  	[sflag:s11] =	ssyncset.done $0x0  }
0x78: {  	[sflag:s11] =	ssyncadd.s32 $0xFFFFC000  }
0x79: {  	[tilespmem:s15], [sflag:$0x1] =	stream.indirect.gather [hbm4b:s4+s14], $0x80, s19, s14, $0xb8;
	[tilespmem:$0x1C800] =	vst v63  }
0x7a: {  	_ =	swait.ge [sflag:s20], $0x4000  }
0x7b: {  	[sflag:s20] =	ssyncset.done $0x0  }
0x7c: {  	[sflag:s20] =	ssyncadd.s32 $0xFFFFC000  }
0x7d: {  	[spmem:s1] =	stream.indirect.scatter.add.f32 [tilespmem:s17], [sflag:$0x3], $0x80, s21, s14, $0xb8;
	[tilespmem:$0x1C800] =	vst v63  }
0x7e: {  	_ =	swait.ge [sflag:s11], $0x4000  }
0x7f: {  	[sflag:s11] =	ssyncset.done $0x0  }
0x80: {  	[sflag:s11] =	ssyncadd.s32 $0xFFFFC000  }
0x81: {  	[tilespmem:s17], [sflag:$0x2] =	stream.indirect.gather [hbm4b:s4+s14], $0x80, s22, s14, $0xb8;
	[tilespmem:$0x1C800] =	vst v63  }
0x82: {  	_ =	swait.ge [sflag:s18], $0x4000  }
0x83: {  	[sflag:s18] =	ssyncset.done $0x0  }
0x84: {  	[sflag:s18] =	ssyncadd.s32 $0xFFFFC000  }
0x85: {  	[spmem:s1] =	stream.indirect.scatter.add.f32 [tilespmem:s15], [sflag:$0x3], $0x80, s23, s14, $0xb8;
	[tilespmem:$0x1C800] =	vst v63  }
0x86: {  	_ =	swait.ge [sflag:s11], $0x4000  }
0x87: {  	[sflag:s11] =	ssyncset.done $0x0  }
0x88: {  	[sflag:s11] =	ssyncadd.s32 $0xFFFFC000  }
0x89: {  	[tilespmem:s15], [sflag:$0x1] =	stream.indirect.gather [hbm4b:s4+s14], $0x80, s24, s14, $0xb8;
	[tilespmem:$0x1C800] =	vst v63  }
0x8a: {  	_ =	swait.ge [sflag:s20], $0x4000  }
0x8b: {  	[sflag:s20] =	ssyncset.done $0x0  }
0x8c: {  	[sflag:s20] =	ssyncadd.s32 $0xFFFFC000  }
0x8d: {  	[spmem:s1] =	stream.indirect.scatter.add.f32 [tilespmem:s17], [sflag:$0x3], $0x80, s25, s14, $0xb8;
	[tilespmem:$0x1C800] =	vst v63  }
0x8e: {  	_ =	swait.ge [sflag:s11], $0x4000  }
0x8f: {  	[sflag:s11] =	ssyncset.done $0x0  }
0x90: {  	[sflag:s11] =	ssyncadd.s32 $0xFFFFC000  }
0x91: {  	[tilespmem:s17], [sflag:$0x2] =	stream.indirect.gather [hbm4b:s4+s14], $0x80, s26, s14, $0xb8;
	[tilespmem:$0x1C800] =	vst v63  }
0x92: {  	_ =	swait.ge [sflag:s18], $0x4000  }
0x93: {  	[sflag:s18] =	ssyncset.done $0x0  }
0x94: {  	[sflag:s18] =	ssyncadd.s32 $0xFFFFC000  }
0x95: {  	[spmem:s1] =	stream.indirect.scatter.add.f32 [tilespmem:s15], [sflag:$0x3], $0x80, s28, s14, $0xb8;
	[tilespmem:$0x1C800] =	vst v63  }
0x96: {  	_ =	swait.ge [sflag:s11], $0x4000  }
0x97: {  	[sflag:s11] =	ssyncset.done $0x0  }
0x98: {  	[sflag:s11] =	ssyncadd.s32 $0xFFFFC000  }
0x99: {  	[tilespmem:s15], [sflag:$0x1] =	stream.indirect.gather [hbm4b:s4+s14], $0x80, s29, s14, $0xb8;
	[tilespmem:$0x1C800] =	vst v63  }
0x9a: {  	_ =	swait.ge [sflag:s20], $0x4000  }
0x9b: {  	[sflag:s20] =	ssyncset.done $0x0  }
0x9c: {  	[sflag:s20] =	ssyncadd.s32 $0xFFFFC000  }
0x9d: {  	[spmem:s1] =	stream.indirect.scatter.add.f32 [tilespmem:s17], [sflag:$0x3], $0x80, s30, s14, $0xb8;
	[tilespmem:$0x1C800] =	vst v63  }
0x9e: {  	_ =	swait.ge [sflag:s11], $0x4000  }
0x9f: {  	[sflag:s11] =	ssyncset.done $0x0  }
0xa0: {  	[sflag:s11] =	ssyncadd.s32 $0xFFFFC000  }
0xa1: {  	[tilespmem:s17], [sflag:$0x2] =	stream.indirect.gather [hbm4b:s4+s14], $0x80, s31, s14, $0xb8;
	[tilespmem:$0x1C800] =	vst v63  }
0xa2: {  	_ =	swait.ge [sflag:s18], $0x4000  }
0xa3: {  	[sflag:s18] =	ssyncset.done $0x0  }
0xa4: {  	[sflag:s18] =	ssyncadd.s32 $0xFFFFC000  }
0xa5: {  	[spmem:s1] =	stream.indirect.scatter.add.f32 [tilespmem:s15], [sflag:$0x3], $0x80, s0, s14, $0xb8;
	[tilespmem:$0x1C800] =	vst v63  }
0xa6: {  	_ =	swait.ge [sflag:s11], $0x4000  }
0xa7: {  	[sflag:s11] =	ssyncset.done $0x0  }
0xa8: {  	p0 =	sne.s32 s7, $0x480;
	[sflag:s11] =	ssyncadd.s32 $0xFFFFC000  }
.Ltmp0:
0xa9: {  	_ =	swait.ge [sflag:s20], $0x4000;
	(pc) =	sbr.rel @p0 .LBB2_2-.Ltmp0, $4  }
0xaa: {  	[sflag:s20] =	ssyncset.done $0x0  }
0xab: {  	[sflag:s20] =	ssyncadd.s32 $0xFFFFC000  }
0xac: {  	[spmem:s1] =	stream.indirect.scatter.add.f32 [tilespmem:s17], [sflag:$0x3], $0x80, s2, s14, $0xb8;
	[tilespmem:$0x1C800] =	vst v63  }
0xad: {  	s7 =	sadd.s32 $0x80, s7;
	_ =	swait.ge [sflag:s11], $0x4000  }
0xae: {  	[sflag:s11] =	ssyncset.done $0x0  }
0xaf: {  	[sflag:s11] =	ssyncadd.s32 $0xFFFFC000  }
0xb0: {  	[bflag:$0x0] =	sbarrier.arrive $0xFFFF  }
0xb1: {  	s6 =	rddreg [dreg:$0x5]  }
0xb2: {  	s8 =	rddreg [dreg:$0x7]  }
0xb3: {  	[hbm:s6], [sflag:s10] =	dma.local [spmem:s8], $0x2800  }
0xb4: {  	_ =	swait.ge [sflag:s11], $0x2800  }
0xb5: {  	s7 =	smov.u32 s10;
	s5 =	sadd.s32 $0x1, s5;
	s10 =	rddreg [dreg:$0x6]  }
0xb6: {  	p0 =	sne.s32 s5, s10  }
.Ltmp1:
0xb7: {  	_ = 	snop;
	(pc) =	sbr.rel @p0 .LBB2_1-.Ltmp1, $3  }
0xb8: {  	_ =	sdelay $0x1  }
0xb9: {  	[sflag:s11] =	ssyncset.done $0x0  }
0xba: {  	[sflag:s11] =	ssyncadd.s32 $0xFFFFD800  }
0xbb: {  	_ =	sfence.sel $0x180000  }
0xbc: {  	[bflag:$0x0] =	sbarrier.arrive $0xFFFF  }
0xbd: {  	_ =	strace $0x9000004D  }
0xbe: {  	s0 =	stileid.u32;
	[bflag:$0x2] =	sbarrier.arrive $0xFFFF  }
0xbf: {  	p0 =	sne.s32 s0, $0x0;
	s0 =	rddreg [dreg:$0x2]  }
0xc0: {  	s0 =	sadd.s32 @!p0 $0x100000, s0  }
0xc1: {  	[sflag:s0] =	ssyncadd.tile.s32 @!p0 $0x1;
	_ =	shalt  }
.Lfunc_end2:
_tile_overlayer_lowered:
.L_overlay_start_2:
0xc2: {  	(tag) =	ssettag $0x2  }
0xc3: {  	s0 =	rddreg [dreg:$0x0];
	s2 =	stileid.u32  }
0xc4: {  	s1 =	rddreg [dreg:$0x1];
	p0 =	sne.s32 s2, $0x0  }
0xc5: {  	s3 =	rddreg [dreg:$0x2];
	[bflag:$0x3] =	sbarrier.arrive $0xFFFF;
	s2 =	simm.s32 @!p0 $0x1C03  }
0xc6: {  	[timem:s3], [sflag:s2] =	dma.local @!p0 [hbm:s0], s1  }
0xc7: {  	s0 =	simm.s32 @!p0 $0x3  }
0xc8: {  	_ =	swait.ge @!p0 [sflag:s0], s1  }
0xc9: {  	s1 =	ssub.s32 @!p0 $0x0, s1;
	[sflag:s0] =	ssyncset.done @!p0 $0x0  }
0xca: {  	[sflag:s0] =	ssyncadd.s32 @!p0 s1  }
0xcb: {  	[bflag:$0x3] =	sbarrier.arrive $0xFFFF  }
0xcc: {  	_ =	shalt  }

// kernel: kernel.8.cloned.1.call-start
scs
__scs_entry_jumppad:
0x0: {  	(pc) =	sbr.rel $0x88, $3  }
0x1: {  	(tag) =	ssettag $0x0;
	lr =	simm.s32 $0x1  }
0x2: {  	[smem:$0x3F98] =	sst lr;
	_ =	strace $0xD0000000  }
0x3: {  	_ = 	snop  }
0x4: {  	_ = 	snop  }
0x5: {  	_ = 	snop  }
0x6: {  	_ = 	snop  }
0x7: {  	_ = 	snop  }
__scs_overlays_trampoline_lowered:
0x8: {  	[smem:$0x3FA7] =	sst s0  }
0x9: {  	[smem:$0x3FA8] =	sst s1  }
0xa: {  	[smem:$0x3FA9] =	sst s2  }
0xb: {  	[smem:$0x3FAA] =	sst s3  }
0xc: {  	[smem:$0x3FAB] =	sst s4  }
0xd: {  	[smem:$0x3FAC] =	sst s5  }
0xe: {  	[smem:$0x3FAD] =	sst s6  }
0xf: {  	[smem:$0x3FAE] =	sst s7  }
0x10: {  	[smem:$0x3FAF] =	sst s8  }
0x11: {  	[smem:$0x3FB0] =	sst s9;
	s0 =	simm.s32 @!p0 $0x0  }
0x12: {  	s1 =	sld [smem:$0x3F96];
	s0 =	simm.s32 @p0 $0x1  }
0x13: {  	[smem:$0x3FB1] =	sst s0;
	s0 =	simm.s32 @!p1 $0x0  }
0x14: {  	s2 =	sld [smem:$0x3F95];
	s0 =	simm.s32 @p1 $0x1  }
0x15: {  	[smem:$0x3FB2] =	sst s0;
	s0 =	simm.s32 @!p2 $0x0  }
0x16: {  	s3 =	sld [smem:$0x3FDB];
	s0 =	simm.s32 @p2 $0x1  }
0x17: {  	s4 =	simm.s32 $0x1BF5;
	[smem:$0x3FB4] =	sst s0  }
0x18: {  	s0 =	sld [smem:$0x3F97];
	_ =	swait.ge [sflag:s4], $0x0  }
0x19: {  	s7 =	sld [smem:$0x3F98]  }
0x1a: {  	s8 =	sadd.s32 $0xFFFFE003, lr  }
0x1b: {  	s9 =	sadd.s32 $0xFFFFFEF7, lr;
	s5 =	simm.s32 $0xFFFFFFFF;
	p2 =	slt.u32 s8, $0xFFFFF086  }
0x1c: {  	p1 =	slt.u32 s9, $0xF7A;
	s5 =	simm.s32 @!p2 $0x0  }
0x1d: {  	s5 =	simm.s32 @p1 $0x1;
	p0 =	seq.s32 s7, s2  }
0x1e: {  	s7 =	smul.u32 @!p0 $0xF7A, s2;
	p2 =	seq.s32 @!p0 s5, $0x0  }
0x1f: {  	s9 =	smul.u32 $0xF7A, s1;
	s8 =	simm.s32 @!p0 $0x1BF5;
	p2 =	por !p2, p0  }
0x20: {  	[sflag:s8] =	ssyncset.s32 @!p0 $0xFFFFF086;
	s6 =	sadd.s32 @!p0 s3, s7;
	s7 =	simm.s32 @!p0 $0x108  }
0x21: {  	s3 =	sadd.s32 s3, s9;
	s6 =	sadd.s32 @!p0 $0x88, s6;
	s7 =	simm.s32 @p2 $0x1082  }
0x22: {  	[simem:s7], [sflag:s8] =	dma.local @!p0 [hbm:s6], $0xF7A  }
0x23: {  	s9 =	sor.u32 $0xD0000000, s2;
	s6 =	simm.s32 $0x108;
	_ =	swait.ge @!p0 [sflag:s8], $0x0  }
0x24: {  	s3 =	sadd.s32 $0x88, s3;
	s6 =	simm.s32 @!p1 $0x1082;
	[sflag:s4] =	ssyncset.s32 $0xFFFFF086  }
0x25: {  	[simem:s6], [sflag:s4] =	dma.local [hbm:s3], $0xF7A  }
0x26: {  	[smem:$0x3F98] =	sst s1;
	(tag) =	ssettag s2;
	_ =	strace s9  }
0x27: {  	s1 =	sld [smem:$0x3FA8]  }
0x28: {  	s2 =	sld [smem:$0x3FA9]  }
0x29: {  	s4 =	sld [smem:$0x3FAB]  }
0x2a: {  	p0 =	seq.s32 s5, $0x0;
	s5 =	sld [smem:$0x3FAC]  }
0x2b: {  	s6 =	sld [smem:$0x3FAD]  }
0x2c: {  	s7 =	sld [smem:$0x3FAE]  }
0x2d: {  	s3 =	simm.s32 $0x108;
	s8 =	sld [smem:$0x3FAF]  }
0x2e: {  	s3 =	simm.s32 @!p0 $0x1082;
	s9 =	sld [smem:$0x3FB0]  }
0x2f: {  	lr =	sadd.s32 s0, s3;
	s0 =	sld [smem:$0x3FA7]  }
0x30: {  	s3 =	sld [smem:$0x3FAA]  }
0x31: {  	[smem:$0x3FB3] =	sst s10  }
0x32: {  	s10 =	sld [smem:$0x3FB1];
	_ =	sdelay $0x3  }
0x33: {  	p0 =	seq.s32 s10, $0x1;
	s10 =	sld [smem:$0x3FB3];
	_ =	sdelay $0x3  }
0x34: {  	[smem:$0x3FB3] =	sst s10  }
0x35: {  	s10 =	sld [smem:$0x3FB2];
	_ =	sdelay $0x3  }
0x36: {  	p1 =	seq.s32 s10, $0x1;
	s10 =	sld [smem:$0x3FB3];
	_ =	sdelay $0x3  }
0x37: {  	[smem:$0x3FB3] =	sst s10  }
0x38: {  	s10 =	sld [smem:$0x3FB4]  }
0x39: {  	_ = 	snop;
	(pc) =	sbr.ind lr, $3  }
0x3a: {  	_ = 	snop  }
0x3b: {  	_ = 	snop  }
0x3c: {  	p2 =	seq.s32 s10, $0x1;
	s10 =	sld [smem:$0x3FB3]  }
0x3d: {  	_ =	shalt  }
0x3e: {  	_ =	shalt  }
0x3f: {  	_ =	shalt  }
0x40: {  	_ =	shalt  }
0x41: {  	_ =	shalt  }
0x42: {  	_ =	shalt  }
0x43: {  	_ =	shalt  }
0x44: {  	_ =	shalt  }
0x45: {  	_ =	shalt  }
0x46: {  	_ =	shalt  }
0x47: {  	_ =	shalt  }
0x48: {  	_ =	shalt  }
0x49: {  	_ =	shalt  }
0x4a: {  	_ =	shalt  }
0x4b: {  	_ =	shalt  }
0x4c: {  	_ =	shalt  }
0x4d: {  	_ =	shalt  }
0x4e: {  	_ =	shalt  }
0x4f: {  	_ =	shalt  }
0x50: {  	_ =	shalt  }
0x51: {  	_ =	shalt  }
0x52: {  	_ =	shalt  }
0x53: {  	_ =	shalt  }
0x54: {  	_ =	shalt  }
0x55: {  	_ =	shalt  }
0x56: {  	_ =	shalt  }
0x57: {  	_ =	shalt  }
0x58: {  	_ =	shalt  }
0x59: {  	_ =	shalt  }
0x5a: {  	_ =	shalt  }
0x5b: {  	_ =	shalt  }
0x5c: {  	_ =	shalt  }
0x5d: {  	_ =	shalt  }
0x5e: {  	_ =	shalt  }
0x5f: {  	_ =	shalt  }
0x60: {  	_ =	shalt  }
0x61: {  	_ =	shalt  }
0x62: {  	_ =	shalt  }
0x63: {  	_ =	shalt  }
0x64: {  	_ =	shalt  }
0x65: {  	_ =	shalt  }
0x66: {  	_ =	shalt  }
0x67: {  	_ =	shalt  }
0x68: {  	_ =	shalt  }
0x69: {  	_ =	shalt  }
0x6a: {  	_ =	shalt  }
0x6b: {  	_ =	shalt  }
0x6c: {  	_ =	shalt  }
0x6d: {  	_ =	shalt  }
0x6e: {  	_ =	shalt  }
0x6f: {  	_ =	shalt  }
0x70: {  	_ =	shalt  }
0x71: {  	_ =	shalt  }
0x72: {  	_ =	shalt  }
0x73: {  	_ =	shalt  }
0x74: {  	_ =	shalt  }
0x75: {  	_ =	shalt  }
0x76: {  	_ =	shalt  }
0x77: {  	_ =	shalt  }
0x78: {  	_ =	shalt  }
0x79: {  	_ =	shalt  }
0x7a: {  	_ =	shalt  }
0x7b: {  	_ =	shalt  }
0x7c: {  	_ =	shalt  }
0x7d: {  	_ =	shalt  }
0x7e: {  	_ =	shalt  }
0x7f: {  	_ =	shalt  }
0x80: {  	_ =	shalt  }
0x81: {  	_ =	shalt  }
0x82: {  	_ =	shalt  }
0x83: {  	_ =	shalt  }
0x84: {  	_ =	shalt  }
0x85: {  	_ =	shalt  }
0x86: {  	_ =	shalt  }
0x87: {  	_ =	shalt  }
.Lfunc_end0:
.L_simem_size_0:
called_computation_lowered:
.L_overlay_start_0:
0x88: {  	s2 =	sld [smem:$0x3FD9]  }
0x89: {  	s3 =	sld [smem:$0x3FFE];
	_ =	sdelay $0x1  }
0x8a: {  	s1 =	srdreg.scid  }
0x8b: {  	s0 =	sand.u32 $0x1, s1  }
0x8c: {  	s16 =	sshll.u32 s0, $0xA;
	s2 =	sadd.s32 s3, s2  }
0x8d: {  	s2 =	sadd.s32 s2, s16  }
0x8e: {  	[smem:$0x3FBF] =	sst s2  }
0x8f: {  	_ = 	snop  }
0x90: {  	(tm) =	ssettm $0x1  }
0x91: {  	s17 =	sld [smem:$0x3FFB];
	_ =	sdelay $0x3  }
0x92: {  	_ =	strace s17  }
0x93: {  	s2 =	sld [smem:$0x3FFC];
	_ =	sdelay $0x3  }
0x94: {  	_ =	strace s2  }
0x95: {  	s2 =	sld [smem:$0x3FFD];
	_ =	sdelay $0x3  }
0x96: {  	_ =	strace s2  }
0x97: {  	_ =	strace $0x8FFFFFFF  }
0x98: {  	s18 =	sld [smem:$0x3FDB];
	_ =	sdelay $0x1  }
0x99: {  	s19 =	simm.s32 $_scs_section_size  }
0x9a: {  	s4 =	simm.s32 $_size__tile_overlayer_lowered;
	s5 =	simm.s32 $_tile_overlayer_lowered  }
0x9b: {  	s22 =	simm.s32 $0x1BFF;
	s21 =	sshll.u32 s5, $0x1;
	s2 =	sadd.s32 s19, s18  }
0x9c: {  	s6 =	simm.s32 $0x0;
	s20 =	sshll.u32 s4, $0x1;
	s4 =	sadd.s32 s21, s2  }
0x9d: {  	[timem:s6], [sflag:s22] =	dma.local [hbm:s4], s20  }
0x9e: {  	_ =	swait.ge [sflag:s22], s20  }
0x9f: {  	s3 =	ssub.s32 $0x0, s20;
	[sflag:s22] =	ssyncset.done $0x0  }
0xa0: {  	[sflag:s22] =	ssyncadd.s32 s3;
	_ =	sdelay $0x1  }
0xa1: {  	s23 =	simm.s32 $0x1B8B  }
0xa2: {  	_ =	swait.ge [sflag:s23], $0x1  }
0xa3: {  	[sflag:s23] =	ssyncset.done $0x0  }
0xa4: {  	s25 =	simm.s32 $0x1B8E;
	s24 =	sld [smem:$0x3FFE];
	[sflag:s23] =	ssyncadd.s32 $0xFFFFFFFF  }
0xa5: {  	s26 =	simm.s32 $execute0_lowered;
	[smem:$0x3FD2] =	sst s25  }
0xa6: {  	s4 =	sshll.u32 s26, $0x1;
	_ =	strace $0x80000046;
	[dreg:$0x1] =	wrdreg $0xFFFFFFFF  }
0xa7: {  	s28 =	simm.s32 $_size_execute0_lowered;
	s2 =	sadd.s32 s2, s4;
	[dreg:$0x0] =	wrdreg $0x0  }
0xa8: {  	s4 =	sshll.u32 s28, $0x1;
	[dreg:$0x2] =	wrdreg s2  }
0xa9: {  	[dreg:$0x3] =	wrdreg s4  }
0xaa: {  	[dreg:$0x4] =	wrdreg $0xC0  }
0xab: {  	_ =	task [dreg:s6], $0x5FFFF  }
0xac: {  	[dreg:$0x1] =	wrdreg $0xFFFFFFFF  }
0xad: {  	[dreg:$0x0] =	wrdreg $0x60  }
0xae: {  	[dreg:$0x2] =	wrdreg s24  }
0xaf: {  	[dreg:$0x3] =	wrdreg $0x0  }
0xb0: {  	[dreg:$0x4] =	wrdreg $0x9  }
0xb1: {  	_ =	task.clear_ibuf [dreg:s6], $0x5FFFF;
	_ =	strace $0x90000046  }
0xb2: {  	s29 =	simm.s32 $0x9;
	_ =	strace $0x80000048  }
0xb3: {  	_ =	swait.ge [sflag:s29], $0x1  }
0xb4: {  	[sflag:s29] =	ssyncadd.s32 $0xFFFFFFFF  }
0xb5: {  	_ =	strace $0x90000048  }
0xb6: {  	_ =	sfence  }
0xb7: {  	s30 =	sld [smem:$0x0];
	_ =	sdelay $0x2  }
0xb8: {  	s31 =	sshll.u32 s1, $0xD;
	s1 =	sshrl.u32 s1, $0x2  }
0xb9: {  	s3 =	sand.u32 $0x4000, s31;
	s1 =	sadd.s32 s1, s30  }
0xba: {  	s0 =	sor.u32 s3, s0;
	s1 =	sshll.u32 s1, $0x11  }
0xbb: {  	s0 =	sor.u32 s1, s0  }
0xbc: {  	s0 =	sadd.s32 $0x8F2B, s0  }
0xbd: {  	[sflag:s0] =	ssyncadd.remote.s32 $0x1  }
0xbe: {  	_ =	sfence.sel $0xFFFF  }
0xbf: {  	[dreg:$0x0] =	wrdreg $0xFFFFFFFF;
	(pc) =	sbr.abs _section_cstart, $3  }
0xc0: {  	[dreg:$0x1] =	wrdreg $0xFFFFFFFF  }
0xc1: {  	_ =	task.clear_ibuf [dreg:s6], $0x2FFFF;
	_ =	strace $0x9FFFFFFF  }
0xc2: {  	(tm) =	ssettm $0x7FFFFFFF  }
0xc3: {  	_ =	shalt  }
tec
execute0_lowered:
.L_overlay_start_1:
0x0: {  	(tag) =	ssettag $0x1  }
0x1: {  	s7 =	rddreg [dreg:$0x0]  }
0x2: {  	s2 =	rddreg [dreg:$0x1]  }
0x3: {  	s0 =	rddreg [dreg:$0x2];
	s3 =	simm.s32 $0x0;
	s4 =	srdreg.scid  }
0x4: {  	s1 =	stileid.u32;
	s15 =	simm.s32 $0x80;
	s16 =	simm.s32 $0x14080  }
0x5: {  	s17 =	simm.s32 $0x14100;
	s18 =	simm.s32 $0x14180;
	s19 =	simm.s32 $0x0  }
0x6: {  	[smem:$0x7FF] =	sst s3;
	s8 =	sand.u32 $0x1, s4;
	s9 =	smul.u32 $0x2800, s1  }
0x7: {  	s4 =	sadd.s32 $0x2600, s7;
	s5 =	sadd.s32 $0x7600, s7;
	s11 =	smul.u32 $0x50000, s1  }
0x8: {  	s6 =	sadd.s32 $0x9E00, s7;
	s31 =	sshll.u32 s1, $0x6;
	s13 =	smul.u32 $0x1400, s1  }
0x9: {  	_ =	strace $0x80000047;
	s10 =	smul.u32 $0x28000, s8;
	s28 =	ssub.s32 $0x2, s8  }
0xa: {  	s12 =	smul.u32 $0x14000, s8;
	s29 =	sshrl.u32 s28, $0x1;
	s30 =	sshrl.u32 s11, $0x2  }
0xb: {  	s9 =	sadd.s32 s9, s10;
	s10 =	ssub.s32 s28, s29;
	s14 =	sadd.s32 s30, s2  }
0xc: {  	s9 =	sadd.s32 s9, s7;
	s7 =	sor.u32 $0x1C01, s31;
	s11 =	sshrl.u32 s14, $0x3  }
0xd: {  	s14 =	simm.s32 $0x14000;
	s8 =	sadd.s32 $0xA600, s9;
	s9 =	smax.u32 s10, $0x1  }
0xe: {  	s10 =	sadd.s32 s13, s12;
	s12 =	simm.s32 $0x1;
	s13 =	simm.s32 $0x14200  }
.LBB2_1:
0xf: {  	[spmem:s11], [sflag:s7] =	dma.local [hbm:s5], $0x2800  }
0x10: {  	_ =	swait.ge [sflag:s12], $0x2800  }
0x11: {  	[sflag:s12] =	ssyncset.done $0x0  }
0x12: {  	s20 =	sadd.s32 $0x0, s10;
	[sflag:s12] =	ssyncadd.s32 $0xFFFFD800  }
0x13: {  	[tilespmem:s13], [sflag:$0x1] =	stream.linear.gather [hbm4b:s6+s3], $0x4000, $0x38;
	[tilespmem:$0x18200] =	vst v63  }
0x14: {  	s21 =	sand.u32 $0x200, s3;
	s20 =	sand.u32 $0x7FC00, s20;
	_ =	swait.ge [sflag:s12], $0x4000  }
0x15: {  	s20 =	sor.u32 s21, s20;
	[sflag:s12] =	ssyncset.done $0x0  }
0x16: {  	s20 =	sshrl.u32 s20, $0x3;
	[sflag:s12] =	ssyncadd.s32 $0xFFFFC000  }
0x17: {  	s20 =	sadd.s32 s4, s20;
	[bflag:$0x0] =	sbarrier.arrive $0xFFFF  }
0x18: {  	[tilespmem:s14], [sflag:$0x1] =	stream.linear.gather [hbm4b:s20+s3], $0x200, $0x38;
	[tilespmem:$0x18200] =	vst v63  }
0x19: {  	_ =	swait.ge [sflag:s12], $0x200  }
0x1a: {  	[sflag:s12] =	ssyncset.done $0x0  }
0x1b: {  	[sflag:s12] =	ssyncadd.s32 $0xFFFFFE00  }
0x1c: {  	[spmem:s2] =	stream.indirect.scatter.add.f32 [tilespmem:s13], [sflag:$0x1], $0x80, s14, s15, $0xb8;
	[tilespmem:$0x18200] =	vst v63  }
0x1d: {  	_ =	swait.ge [sflag:s12], $0x4000  }
0x1e: {  	[sflag:s12] =	ssyncset.done $0x0  }
0x1f: {  	[sflag:s12] =	ssyncadd.s32 $0xFFFFC000  }
0x20: {  	[spmem:s2] =	stream.indirect.scatter.add.f32 [tilespmem:s13], [sflag:$0x1], $0x80, s16, s15, $0xb8;
	[tilespmem:$0x18200] =	vst v63  }
0x21: {  	_ =	swait.ge [sflag:s12], $0x4000  }
0x22: {  	[sflag:s12] =	ssyncset.done $0x0  }
0x23: {  	[sflag:s12] =	ssyncadd.s32 $0xFFFFC000  }
0x24: {  	[spmem:s2] =	stream.indirect.scatter.add.f32 [tilespmem:s13], [sflag:$0x1], $0x80, s17, s15, $0xb8;
	[tilespmem:$0x18200] =	vst v63  }
0x25: {  	_ =	swait.ge [sflag:s12], $0x4000  }
0x26: {  	[sflag:s12] =	ssyncset.done $0x0  }
0x27: {  	s30 =	simm.s32 $0x200;
	s31 =	sadd.s32 $0x200, s10;
	[sflag:s12] =	ssyncadd.s32 $0xFFFFC000  }
0x28: {  	[spmem:s2] =	stream.indirect.scatter.add.f32 [tilespmem:s13], [sflag:$0x1], $0x80, s18, s15, $0xb8;
	[tilespmem:$0x18200] =	vst v63  }
0x29: {  	s22 =	sand.u32 $0x200, s30;
	s21 =	sand.u32 $0x7FC00, s31;
	_ =	swait.ge [sflag:s12], $0x4000  }
0x2a: {  	s21 =	sor.u32 s22, s21;
	s20 =	simm.s32 $0x400;
	[sflag:s12] =	ssyncset.done $0x0  }
.LBB2_2:
0x2b: {  	s21 =	sshrl.u32 s21, $0x3  }
0x2c: {  	[sflag:s12] =	ssyncadd.s32 $0xFFFFC000;
	s22 =	smov.u32 s20;
	s23 =	sadd.s32 $0x200, s20  }
0x2d: {  	p0 =	sne.s32 s20, $0x1200;
	s20 =	sadd.s32 s4, s21  }
0x2e: {  	[tilespmem:s14], [sflag:$0x1] =	stream.linear.gather [hbm4b:s20+s3], $0x200, $0x38;
	[tilespmem:$0x18200] =	vst v63  }
0x2f: {  	_ =	swait.ge [sflag:s12], $0x200  }
0x30: {  	[sflag:s12] =	ssyncset.done $0x0  }
0x31: {  	[sflag:s12] =	ssyncadd.s32 $0xFFFFFE00  }
0x32: {  	[spmem:s2] =	stream.indirect.scatter.add.f32 [tilespmem:s13], [sflag:$0x1], $0x80, s14, s15, $0xb8;
	[tilespmem:$0x18200] =	vst v63  }
0x33: {  	_ =	swait.ge [sflag:s12], $0x4000  }
0x34: {  	[sflag:s12] =	ssyncset.done $0x0  }
0x35: {  	[sflag:s12] =	ssyncadd.s32 $0xFFFFC000  }
0x36: {  	[spmem:s2] =	stream.indirect.scatter.add.f32 [tilespmem:s13], [sflag:$0x1], $0x80, s16, s15, $0xb8;
	[tilespmem:$0x18200] =	vst v63  }
0x37: {  	_ =	swait.ge [sflag:s12], $0x4000  }
0x38: {  	[sflag:s12] =	ssyncset.done $0x0  }
0x39: {  	[sflag:s12] =	ssyncadd.s32 $0xFFFFC000  }
0x3a: {  	[spmem:s2] =	stream.indirect.scatter.add.f32 [tilespmem:s13], [sflag:$0x1], $0x80, s17, s15, $0xb8;
	[tilespmem:$0x18200] =	vst v63  }
0x3b: {  	_ =	swait.ge [sflag:s12], $0x4000  }
.Ltmp0:
0x3c: {  	[sflag:s12] =	ssyncset.done $0x0;
	(pc) =	sbr.rel @p0 .LBB2_2-.Ltmp0, $4  }
0x3d: {  	s20 =	sadd.s32 s22, s10;
	[sflag:s12] =	ssyncadd.s32 $0xFFFFC000  }
0x3e: {  	[spmem:s2] =	stream.indirect.scatter.add.f32 [tilespmem:s13], [sflag:$0x1], $0x80, s18, s15, $0xb8;
	[tilespmem:$0x18200] =	vst v63  }
0x3f: {  	s21 =	sand.u32 $0x200, s22;
	s20 =	sand.u32 $0x7FC00, s20;
	_ =	swait.ge [sflag:s12], $0x4000  }
0x40: {  	s21 =	sor.u32 s21, s20;
	s20 =	smov.u32 s23;
	[sflag:s12] =	ssyncset.done $0x0  }
0x41: {  	s20 =	sshrl.u32 s21, $0x3  }
0x42: {  	[sflag:s12] =	ssyncadd.s32 $0xFFFFC000;
	s20 =	sadd.s32 s4, s20  }
0x43: {  	[tilespmem:s14], [sflag:$0x1] =	stream.linear.gather [hbm4b:s20+s3], $0x200, $0x38;
	[tilespmem:$0x18200] =	vst v63  }
0x44: {  	_ =	swait.ge [sflag:s12], $0x200  }
0x45: {  	[sflag:s12] =	ssyncset.done $0x0  }
0x46: {  	[sflag:s12] =	ssyncadd.s32 $0xFFFFFE00  }
0x47: {  	[spmem:s2] =	stream.indirect.scatter.add.f32 [tilespmem:s13], [sflag:$0x1], $0x80, s14, s15, $0xb8;
	[tilespmem:$0x18200] =	vst v63  }
0x48: {  	_ =	swait.ge [sflag:s12], $0x4000  }
0x49: {  	[sflag:s12] =	ssyncset.done $0x0  }
0x4a: {  	[sflag:s12] =	ssyncadd.s32 $0xFFFFC000  }
0x4b: {  	[spmem:s2] =	stream.indirect.scatter.add.f32 [tilespmem:s13], [sflag:$0x1], $0x80, s16, s15, $0xb8;
	[tilespmem:$0x18200] =	vst v63  }
0x4c: {  	_ =	swait.ge [sflag:s12], $0x4000  }
0x4d: {  	[sflag:s12] =	ssyncset.done $0x0  }
0x4e: {  	[sflag:s12] =	ssyncadd.s32 $0xFFFFC000  }
0x4f: {  	[spmem:s2] =	stream.indirect.scatter.add.f32 [tilespmem:s13], [sflag:$0x1], $0x80, s17, s15, $0xb8;
	[tilespmem:$0x18200] =	vst v63  }
0x50: {  	_ =	swait.ge [sflag:s12], $0x4000  }
0x51: {  	[sflag:s12] =	ssyncset.done $0x0  }
0x52: {  	[sflag:s12] =	ssyncadd.s32 $0xFFFFC000  }
0x53: {  	[spmem:s2] =	stream.indirect.scatter.add.f32 [tilespmem:s13], [sflag:$0x1], $0x80, s18, s15, $0xb8;
	[tilespmem:$0x18200] =	vst v63  }
0x54: {  	_ =	swait.ge [sflag:s12], $0x4000  }
0x55: {  	s19 =	sadd.s32 $0x1, s19;
	[sflag:s12] =	ssyncset.done $0x0  }
0x56: {  	p0 =	sne.s32 s19, s9;
	[sflag:s12] =	ssyncadd.s32 $0xFFFFC000  }
.Ltmp1:
0x57: {  	[bflag:$0x0] =	sbarrier.arrive $0xFFFF;
	(pc) =	sbr.rel @p0 .LBB2_1-.Ltmp1, $4  }
0x58: {  	[hbm:s8], [sflag:s7] =	dma.local [spmem:s11], $0x2800  }
0x59: {  	_ =	swait.ge [sflag:s12], $0x2800  }
0x5a: {  	[sflag:s12] =	ssyncset.done $0x0  }
0x5b: {  	[sflag:s12] =	ssyncadd.s32 $0xFFFFD800  }
0x5c: {  	_ =	sfence.sel $0x180000  }
0x5d: {  	[bflag:$0x0] =	sbarrier.arrive $0xFFFF  }
0x5e: {  	p0 =	sne.s32 s1, $0x0;
	_ =	strace $0x90000047  }
0x5f: {  	s0 =	sadd.s32 @!p0 $0x100000, s0;
	[bflag:$0x2] =	sbarrier.arrive $0xFFFF  }
0x60: {  	[sflag:s0] =	ssyncadd.tile.s32 @!p0 $0x1;
	_ =	shalt  }
.Lfunc_end2:
_tile_overlayer_lowered:
.L_overlay_start_2:
0x61: {  	(tag) =	ssettag $0x2  }
0x62: {  	s0 =	rddreg [dreg:$0x0];
	s2 =	stileid.u32  }
0x63: {  	s1 =	rddreg [dreg:$0x1];
	p0 =	sne.s32 s2, $0x0  }
0x64: {  	s3 =	rddreg [dreg:$0x2];
	[bflag:$0x3] =	sbarrier.arrive $0xFFFF;
	s2 =	simm.s32 @!p0 $0x1C01  }
0x65: {  	[timem:s3], [sflag:s2] =	dma.local @!p0 [hbm:s0], s1  }
0x66: {  	s0 =	simm.s32 @!p0 $0x1  }
0x67: {  	_ =	swait.ge @!p0 [sflag:s0], s1  }
0x68: {  	s1 =	ssub.s32 @!p0 $0x0, s1;
	[sflag:s0] =	ssyncset.done @!p0 $0x0  }
0x69: {  	[sflag:s0] =	ssyncadd.s32 @!p0 s1  }
0x6a: {  	[bflag:$0x3] =	sbarrier.arrive $0xFFFF  }
0x6b: {  	_ =	shalt  }

</sc_bundles>
